<compile_context>
chip_gen: v7x
topology: tpu7x:2x2x1
jax: 0.10.2.dev20260603
libtpu: 0.0.44.dev20260713+nightly
codegen_flags: <defaults>
</compile_context>

<pallas_src>
import functools

import jax
import jax.numpy as jnp
from jax import lax
from jax.experimental import pallas as pl
from jax.experimental.pallas import tpu as pltpu
from jax.experimental.pallas import tpu_sc as plsc

NC = 2
NS = 16
NW = NC * NS
CHUNK = 128


NB = 4


def _sc_gather(flat_idx, emb2f, emb1f):
    C = flat_idx.shape[1]
    R = NW * C
    K = emb2f.shape[1]

    mesh = plsc.VectorSubcoreMesh(core_axis_name="c", subcore_axis_name="s")

    @functools.partial(
        pl.kernel,
        mesh=mesh,
        compiler_params=pltpu.CompilerParams(use_tc_tiling_on_sc=False),
        out_type=[
            jax.ShapeDtypeStruct((R, CHUNK, K), jnp.float32),
            jax.ShapeDtypeStruct((NW, C, CHUNK), jnp.float32),
        ],
        scratch_types=[
            pltpu.VMEM((C, CHUNK), jnp.int32),
            pltpu.VMEM((NB, CHUNK, K), jnp.float32),
            pltpu.VMEM((C, CHUNK), jnp.float32),
            pltpu.SemaphoreType.DMA,
            pltpu.SemaphoreType.DMA,
        ],
    )
    def sc_kernel(idx_hbm, emb2_hbm, emb1_hbm, g2_hbm, g1_hbm,
                  idx_v, ring_v, r1_v, sem2, sem1):
        wid = lax.axis_index("s") * NC + lax.axis_index("c")
        base = wid * C
        pltpu.sync_copy(idx_hbm.at[wid], idx_v)

        def g2_start(j):
            pltpu.make_async_copy(
                emb2_hbm.at[idx_v.at[j]], ring_v.at[lax.rem(j, NB)], sem2).start()

        def g2_finish(j):
            pltpu.make_async_copy(
                emb2_hbm.at[idx_v.at[j]], ring_v.at[lax.rem(j, NB)], sem2).wait()
            pltpu.sync_copy(ring_v.at[lax.rem(j, NB)], g2_hbm.at[base + j])

        def fire1(j, carry):
            pltpu.make_async_copy(emb1_hbm.at[idx_v.at[j]], r1_v.at[j], sem1).start()
            return carry

        lax.fori_loop(0, C, fire1, 0)

        def prime(j, carry):
            g2_start(j)
            return carry

        lax.fori_loop(0, NB, prime, 0)

        def steady(j, carry):
            g2_finish(j - NB)
            g2_start(j)
            return carry

        lax.fori_loop(NB, C, steady, 0)

        def tail(j, carry):
            g2_finish(j)
            return carry

        lax.fori_loop(C - NB, C, tail, 0)

        def drain1(j, carry):
            pltpu.make_async_copy(emb1_hbm.at[idx_v.at[j]], r1_v.at[j], sem1).wait()
            return carry

        lax.fori_loop(0, C, drain1, 0)
        pltpu.sync_copy(r1_v, g1_hbm.at[wid])

    return sc_kernel(flat_idx, emb2f, emb1f)


def _tc_forward(g2r, g1r, Xv, Xve, W0s, b0, W1, b1, W2, b2, bias, *, BB, H, K):
    B, FK = g2r.shape
    F = Xv.shape[1]
    HS = W0s.shape[1]
    grid = B // BB

    def body(g2_ref, g1_ref, xv_ref, xve_ref, w0s_ref, b0_ref, w1_ref,
             b1_ref, w2_ref, b2_ref, bias_ref, out_ref):
        e = g2_ref[...] * xve_ref[...]
        hs = jnp.dot(e, w0s_ref[...], preferred_element_type=jnp.float32)
        summed = hs[:, H:]
        fm2 = 0.5 * (jnp.sum(summed * summed, axis=1, keepdims=True)
                     - jnp.sum(e * e, axis=1, keepdims=True))
        fm1 = jnp.sum(g1_ref[...] * xv_ref[...], axis=1, keepdims=True)
        h = jnp.maximum(hs[:, :H] + b0_ref[...], 0.0)
        h = jnp.dot(h, w1_ref[...], preferred_element_type=jnp.float32)
        h = jnp.maximum(h + b1_ref[...], 0.0)
        h = jnp.dot(h, w2_ref[...], preferred_element_type=jnp.float32)
        h = jnp.maximum(h + b2_ref[...], 0.0)
        deep = jnp.sum(h, axis=1, keepdims=True)
        out_ref[...] = fm1 + fm2 + deep + bias_ref[0, 0]

    return pl.pallas_call(
        body,
        grid=(grid,),
        in_specs=[
            pl.BlockSpec((BB, FK), lambda i: (i, 0)),
            pl.BlockSpec((BB, F), lambda i: (i, 0)),
            pl.BlockSpec((BB, F), lambda i: (i, 0)),
            pl.BlockSpec((BB, FK), lambda i: (i, 0)),
            pl.BlockSpec((FK, HS), lambda i: (0, 0)),
            pl.BlockSpec((1, H), lambda i: (0, 0)),
            pl.BlockSpec((H, H), lambda i: (0, 0)),
            pl.BlockSpec((1, H), lambda i: (0, 0)),
            pl.BlockSpec((H, H), lambda i: (0, 0)),
            pl.BlockSpec((1, H), lambda i: (0, 0)),
            pl.BlockSpec(memory_space=pltpu.SMEM),
        ],
        out_specs=pl.BlockSpec((BB, 1), lambda i: (i, 0)),
        out_shape=jax.ShapeDtypeStruct((B, 1), jnp.float32),
    )(g2r, g1r, Xv, Xve, W0s, b0, W1, b1, W2, b2, bias)


def kernel(Xi, Xv, emb1, emb2, W0, b0, W1, b1, W2, b2, bias):
    B, F = Xv.shape
    V = emb1.shape[1]
    K = emb2.shape[2]
    H = W0.shape[1]

    flat_idx = (Xi[:, :, 0] + (jnp.arange(F, dtype=jnp.int32) * V)[None, :])
    flat_idx = flat_idx.reshape(NW, B * F // (CHUNK * NW), CHUNK)
    emb2f = emb2.reshape(F * V, K)
    emb1f = emb1.reshape(F * V)

    g2, g1 = _sc_gather(flat_idx, emb2f, emb1f)
    g2r = g2.reshape(B, F * K)
    g1r = g1.reshape(B, F)

    Xve = jnp.repeat(Xv, K, axis=1)
    S = jnp.tile(jnp.eye(K, dtype=jnp.float32), (F, 1))
    W0s = jnp.concatenate([W0, S], axis=1)

    out = _tc_forward(g2r, g1r, Xv, Xve, W0s, b0.reshape(1, H),
                      W1, b1.reshape(1, H), W2, b2.reshape(1, H),
                      bias.reshape(1, 1), BB=256, H=H, K=K)
    return out.reshape(B)

# --- scband reference (transcript-rebuilt; emitter-appended) ---
"""Pipeline reference for scband-deep-fms-79602923864351 (READ-ONLY COPY).

The authoritative reference and input builder live on the scoring server;
editing this copy changes nothing except your own understanding.
"""

import jax, jax.numpy as jnp
import numpy as np

B = 4096
F_ = 26
V = 100000
K = 32
H = 400


def setup_inputs(seed: int = 0) -> dict:
    key = jax.random.key(seed)
    ks = jax.random.split(key, 12)
    Xi = jax.random.randint(ks[0], (B, F_, 1), 0, V, dtype=jnp.int32)
    Xv = jax.random.uniform(ks[1], (B, F_), dtype=jnp.float32)
    # learned parameters
    emb1 = jax.random.normal(ks[2], (F_, V), dtype=jnp.float32) * 0.01   # first-order embeddings (one scalar per feature id per field)
    emb2 = jax.random.normal(ks[3], (F_, V, K), dtype=jnp.float32) * 0.01  # second-order embeddings
    W0 = jax.random.normal(ks[4], (F_ * K, H), dtype=jnp.float32) * 0.05
    b0 = jnp.zeros((H,), dtype=jnp.float32)
    W1 = jax.random.normal(ks[5], (H, H), dtype=jnp.float32) * 0.05
    b1 = jnp.zeros((H,), dtype=jnp.float32)
    W2 = jax.random.normal(ks[6], (H, H), dtype=jnp.float32) * 0.05
    b2 = jnp.zeros((H,), dtype=jnp.float32)
    bias = jnp.array(0.01, dtype=jnp.float32)
    return {"Xi": Xi, "Xv": Xv, "emb1": emb1, "emb2": emb2, "W0": W0, "b0": b0, "W1": W1, "b1": b1, "W2": W2, "b2": b2, "bias": bias}


def reference(Xi, Xv, emb1, emb2, W0, b0, W1, b1, W2, b2, bias):
    # DeepFM forward (fm + deep), eval mode (dropout disabled)
    Xi_s = Xi[:, :, 0]                      # [B, F]
    fidx = jnp.arange(F_)[None, :]          # [1, F]
    # first-order FM part: per-field 1-dim embedding lookup scaled by value
    fm_first = emb1[fidx, Xi_s] * Xv        # [B, F]
    # second-order FM part: per-field K-dim embedding lookup scaled by value
    emb = emb2[fidx, Xi_s] * Xv[:, :, None]  # [B, F, K]
    summed = jnp.sum(emb, axis=1)            # [B, K]
    fm_second = 0.5 * (summed * summed - jnp.sum(emb * emb, axis=1))  # [B, K]
    # deep part: concat second-order embeddings -> MLP with relu
    h = emb.reshape(B, F_ * K)
    h = jax.nn.relu(h @ W0 + b0)
    h = jax.nn.relu(h @ W1 + b1)
    h = jax.nn.relu(h @ W2 + b2)
    total_sum = jnp.sum(fm_first, axis=1) + jnp.sum(fm_second, axis=1) + jnp.sum(h, axis=1) + bias
    return total_sum

if __name__ == "__main__":
    import jax
    _d = setup_inputs()
    print(jax.jit(kernel)(*tuple(_d.values())))

</pallas_src>

<mosaic_0001>
#map = affine_map<(d0, d1) -> (0, 0, 0)>
#map1 = affine_map<(d0, d1) -> (0, 0)>
#map2 = affine_map<(d0, d1) -> (0)>
module attributes {stable_mosaic.version = 14 : i64} {
  func.func @sc_kernel(%arg0: i32, %arg1: i32, %arg2: memref<32x26x128xi32, #tpu.memory_space<hbm>>, %arg3: memref<2600000x32xf32, #tpu.memory_space<hbm>>, %arg4: memref<2600000xf32, #tpu.memory_space<hbm>>, %arg5: memref<832x128x32xf32, #tpu.memory_space<hbm>>, %arg6: memref<32x26x128xf32, #tpu.memory_space<hbm>>, %arg7: memref<26x128xi32, #tpu.memory_space<vmem>>, %arg8: memref<4x128x32xf32, #tpu.memory_space<vmem>>, %arg9: memref<26x128xf32, #tpu.memory_space<vmem>>, %arg10: memref<!tpu.dma_semaphore, #tpu.memory_space<semaphore_mem>>, %arg11: memref<!tpu.dma_semaphore, #tpu.memory_space<semaphore_mem>>) attributes {dimension_semantics = [#tpu.dimension_semantics<core_parallel>, #tpu.dimension_semantics<subcore_parallel>], iteration_bounds = array<i64: 2, 16>, scalar_prefetch = 0 : i64, scratch_operands = 5 : i64, tpu.core_type = #tpu.core_type<sc_vector_subcore>, window_params = [{transform_indices = #map}, {transform_indices = #map1}, {transform_indices = #map2}, {transform_indices = #map}, {transform_indices = #map}]} {
    %mul3A = arith.constant 2 : i32
    %mul3A_0 = arith.muli %arg1, %mul3A : i32
    %add3A = arith.addi %mul3A_0, %arg0 : i32
    %mul3A_1 = arith.constant 26 : i32
    %mul3A_2 = arith.muli %add3A, %mul3A_1 : i32
    "tpu.region"() ({
      %run_scoped3A = tpu.sem_alloc : memref<!tpu.dma_semaphore, #tpu.memory_space<semaphore_mem>>
      %dma_start3A = arith.constant 0 : i32
      %dma_start3A_32 = arith.constant 0 : i32
      %dma_start3A_33 = tpu.memref_slice %arg2[%add3A, %dma_start3A, %dma_start3A_32] : memref<32x26x128xi32, #tpu.memory_space<hbm>> -> memref<1x26x128xi32, #tpu.memory_space<hbm>>
      %dma_start3A_34 = tpu.memref_squeeze %dma_start3A_33 : memref<1x26x128xi32, #tpu.memory_space<hbm>> -> memref<26x128xi32, #tpu.memory_space<hbm>>
      %dma_start3A_35 = arith.constant 0 : i32
      %dma_start3A_36 = arith.constant 0 : i32
      %dma_start3A_37 = tpu.memref_slice %arg2[%add3A, %dma_start3A_35, %dma_start3A_36] : memref<32x26x128xi32, #tpu.memory_space<hbm>> -> memref<1x26x128xi32, #tpu.memory_space<hbm>>
      %dma_start3A_38 = tpu.memref_squeeze %dma_start3A_37 : memref<1x26x128xi32, #tpu.memory_space<hbm>> -> memref<26x128xi32, #tpu.memory_space<hbm>>
      tpu.enqueue_dma source(%dma_start3A_38 : memref<26x128xi32, #tpu.memory_space<hbm>>) target(%arg7 : memref<26x128xi32, #tpu.memory_space<vmem>>) target_semaphore(%run_scoped3A : memref<!tpu.dma_semaphore, #tpu.memory_space<semaphore_mem>>)
      %dma_wait3A = arith.constant 0 : i32
      %dma_wait3A_39 = arith.constant 0 : i32
      %dma_wait3A_40 = tpu.memref_slice %arg2[%add3A, %dma_wait3A, %dma_wait3A_39] : memref<32x26x128xi32, #tpu.memory_space<hbm>> -> memref<1x26x128xi32, #tpu.memory_space<hbm>>
      %dma_wait3A_41 = tpu.memref_squeeze %dma_wait3A_40 : memref<1x26x128xi32, #tpu.memory_space<hbm>> -> memref<26x128xi32, #tpu.memory_space<hbm>>
      %dma_wait3A_42 = arith.constant 0 : i32
      %dma_wait3A_43 = arith.constant 0 : i32
      %dma_wait3A_44 = tpu.memref_slice %arg2[%add3A, %dma_wait3A_42, %dma_wait3A_43] : memref<32x26x128xi32, #tpu.memory_space<hbm>> -> memref<1x26x128xi32, #tpu.memory_space<hbm>>
      %dma_wait3A_45 = tpu.memref_squeeze %dma_wait3A_44 : memref<1x26x128xi32, #tpu.memory_space<hbm>> -> memref<26x128xi32, #tpu.memory_space<hbm>>
      tpu.wait_dma2 semaphore(%run_scoped3A : memref<!tpu.dma_semaphore, #tpu.memory_space<semaphore_mem>>) src(%dma_wait3A_45 : memref<26x128xi32, #tpu.memory_space<hbm>>) dst(%arg7 : memref<26x128xi32, #tpu.memory_space<vmem>>)
      tpu.yield
    }) : () -> ()
    %scan3A = arith.constant 0 : i32
    %scan3A_3 = arith.constant 0 : i32
    %scan3A_4 = arith.constant 26 : i32
    %scan3A_5 = arith.addi %scan3A_3, %scan3A_4 : i32
    %scan3A_6 = arith.constant 1 : i32
    scf.for %scan3A_32 = %scan3A_3 to %scan3A_5 step %scan3A_6  : i32 {
      %dma_start3A = arith.constant 0 : i32
      %dma_start3A_33 = tpu.memref_slice %arg9[%scan3A_32, %dma_start3A] : memref<26x128xf32, #tpu.memory_space<vmem>> -> memref<1x128xf32, #tpu.memory_space<vmem>>
      %dma_start3A_34 = tpu.memref_squeeze %dma_start3A_33 : memref<1x128xf32, #tpu.memory_space<vmem>> -> memref<128xf32, #tpu.memory_space<vmem>>
      %dma_start3A_35 = arith.constant 0 : i32
      %dma_start3A_36 = tpu.memref_slice %arg7[%scan3A_32, %dma_start3A_35] : memref<26x128xi32, #tpu.memory_space<vmem>> -> memref<1x128xi32, #tpu.memory_space<vmem>>
      %dma_start3A_37 = tpu.memref_squeeze %dma_start3A_36 : memref<1x128xi32, #tpu.memory_space<vmem>> -> memref<128xi32, #tpu.memory_space<vmem>>
      %dma_start3A_38 = arith.constant 0 : i32
      %dma_start3A_39 = tpu.memref_slice %arg4[%dma_start3A_38] : memref<2600000xf32, #tpu.memory_space<hbm>> -> memref<2600000xf32, #tpu.memory_space<hbm>>
      tpu.enqueue_indirect_dma source(%dma_start3A_39 : memref<2600000xf32, #tpu.memory_space<hbm>>) target(%dma_start3A_34 : memref<128xf32, #tpu.memory_space<vmem>>) offsets(%dma_start3A_37 : memref<128xi32, #tpu.memory_space<vmem>>) semaphore(%arg11 : memref<!tpu.dma_semaphore, #tpu.memory_space<semaphore_mem>>)
    }
    %scan3A_7 = arith.constant 26 : i32
    %scan3A_8 = arith.constant 0 : i32
    %scan3A_9 = arith.constant 0 : i32
    %scan3A_10 = arith.constant 4 : i32
    %scan3A_11 = arith.addi %scan3A_9, %scan3A_10 : i32
    %scan3A_12 = arith.constant 1 : i32
    scf.for %scan3A_32 = %scan3A_9 to %scan3A_11 step %scan3A_12  : i32 {
      %rem3A = arith.constant 4 : i32
      %rem3A_33 = arith.remsi %scan3A_32, %rem3A : i32
      %dma_start3A = arith.constant 0 : i32
      %dma_start3A_34 = arith.constant 0 : i32
      %dma_start3A_35 = tpu.memref_slice %arg8[%rem3A_33, %dma_start3A, %dma_start3A_34] : memref<4x128x32xf32, #tpu.memory_space<vmem>> -> memref<1x128x32xf32, #tpu.memory_space<vmem>>
      %dma_start3A_36 = tpu.memref_squeeze %dma_start3A_35 : memref<1x128x32xf32, #tpu.memory_space<vmem>> -> memref<128x32xf32, #tpu.memory_space<vmem>>
      %dma_start3A_37 = arith.constant 0 : i32
      %dma_start3A_38 = tpu.memref_slice %arg7[%scan3A_32, %dma_start3A_37] : memref<26x128xi32, #tpu.memory_space<vmem>> -> memref<1x128xi32, #tpu.memory_space<vmem>>
      %dma_start3A_39 = tpu.memref_squeeze %dma_start3A_38 : memref<1x128xi32, #tpu.memory_space<vmem>> -> memref<128xi32, #tpu.memory_space<vmem>>
      %dma_start3A_40 = arith.constant 0 : i32
      %dma_start3A_41 = arith.constant 0 : i32
      %dma_start3A_42 = tpu.memref_slice %arg3[%dma_start3A_40, %dma_start3A_41] : memref<2600000x32xf32, #tpu.memory_space<hbm>> -> memref<2600000x32xf32, #tpu.memory_space<hbm>>
      tpu.enqueue_indirect_dma source(%dma_start3A_42 : memref<2600000x32xf32, #tpu.memory_space<hbm>>) target(%dma_start3A_36 : memref<128x32xf32, #tpu.memory_space<vmem>>) offsets(%dma_start3A_39 : memref<128xi32, #tpu.memory_space<vmem>>) semaphore(%arg10 : memref<!tpu.dma_semaphore, #tpu.memory_space<semaphore_mem>>)
    }
    %scan3A_13 = arith.constant 4 : i32
    %scan3A_14 = arith.constant 0 : i32
    %scan3A_15 = arith.constant 4 : i32
    %scan3A_16 = arith.constant 22 : i32
    %scan3A_17 = arith.addi %scan3A_15, %scan3A_16 : i32
    %scan3A_18 = arith.constant 1 : i32
    scf.for %scan3A_32 = %scan3A_15 to %scan3A_17 step %scan3A_18  : i32 {
      %sub3A = arith.constant 4 : i32
      %sub3A_33 = arith.subi %scan3A_32, %sub3A : i32
      %rem3A = arith.constant 4 : i32
      %rem3A_34 = arith.remsi %sub3A_33, %rem3A : i32
      %dma_wait3A = arith.constant 0 : i32
      %dma_wait3A_35 = arith.constant 0 : i32
      %dma_wait3A_36 = tpu.memref_slice %arg8[%rem3A_34, %dma_wait3A, %dma_wait3A_35] : memref<4x128x32xf32, #tpu.memory_space<vmem>> -> memref<1x128x32xf32, #tpu.memory_space<vmem>>
      %dma_wait3A_37 = tpu.memref_squeeze %dma_wait3A_36 : memref<1x128x32xf32, #tpu.memory_space<vmem>> -> memref<128x32xf32, #tpu.memory_space<vmem>>
      %dma_wait3A_38 = arith.constant 0 : i32
      %dma_wait3A_39 = tpu.memref_slice %arg7[%sub3A_33, %dma_wait3A_38] : memref<26x128xi32, #tpu.memory_space<vmem>> -> memref<1x128xi32, #tpu.memory_space<vmem>>
      %dma_wait3A_40 = tpu.memref_squeeze %dma_wait3A_39 : memref<1x128xi32, #tpu.memory_space<vmem>> -> memref<128xi32, #tpu.memory_space<vmem>>
      %dma_wait3A_41 = arith.constant 0 : i32
      %dma_wait3A_42 = arith.constant 0 : i32
      %dma_wait3A_43 = tpu.memref_slice %arg3[%dma_wait3A_41, %dma_wait3A_42] : memref<2600000x32xf32, #tpu.memory_space<hbm>> -> memref<2600000x32xf32, #tpu.memory_space<hbm>>
      tpu.wait_indirect_dma semaphore(%arg10 : memref<!tpu.dma_semaphore, #tpu.memory_space<semaphore_mem>>) src(%dma_wait3A_43 : memref<2600000x32xf32, #tpu.memory_space<hbm>>) dst(%dma_wait3A_37 : memref<128x32xf32, #tpu.memory_space<vmem>>)
      %rem3A_44 = arith.constant 4 : i32
      %rem3A_45 = arith.remsi %sub3A_33, %rem3A_44 : i32
      %add3A_46 = arith.addi %mul3A_2, %sub3A_33 : i32
      "tpu.region"() ({
        %run_scoped3A = tpu.sem_alloc : memref<!tpu.dma_semaphore, #tpu.memory_space<semaphore_mem>>
        %dma_start3A_58 = arith.constant 0 : i32
        %dma_start3A_59 = arith.constant 0 : i32
        %dma_start3A_60 = tpu.memref_slice %arg8[%rem3A_45, %dma_start3A_58, %dma_start3A_59] : memref<4x128x32xf32, #tpu.memory_space<vmem>> -> memref<1x128x32xf32, #tpu.memory_space<vmem>>
        %dma_start3A_61 = tpu.memref_squeeze %dma_start3A_60 : memref<1x128x32xf32, #tpu.memory_space<vmem>> -> memref<128x32xf32, #tpu.memory_space<vmem>>
        %dma_start3A_62 = arith.constant 0 : i32
        %dma_start3A_63 = arith.constant 0 : i32
        %dma_start3A_64 = tpu.memref_slice %arg5[%add3A_46, %dma_start3A_62, %dma_start3A_63] : memref<832x128x32xf32, #tpu.memory_space<hbm>> -> memref<1x128x32xf32, #tpu.memory_space<hbm>>
        %dma_start3A_65 = tpu.memref_squeeze %dma_start3A_64 : memref<1x128x32xf32, #tpu.memory_space<hbm>> -> memref<128x32xf32, #tpu.memory_space<hbm>>
        %dma_start3A_66 = arith.constant 0 : i32
        %dma_start3A_67 = arith.constant 0 : i32
        %dma_start3A_68 = tpu.memref_slice %arg5[%add3A_46, %dma_start3A_66, %dma_start3A_67] : memref<832x128x32xf32, #tpu.memory_space<hbm>> -> memref<1x128x32xf32, #tpu.memory_space<hbm>>
        %dma_start3A_69 = tpu.memref_squeeze %dma_start3A_68 : memref<1x128x32xf32, #tpu.memory_space<hbm>> -> memref<128x32xf32, #tpu.memory_space<hbm>>
        %dma_start3A_70 = arith.constant 0 : i32
        %dma_start3A_71 = arith.constant 0 : i32
        %dma_start3A_72 = tpu.memref_slice %arg8[%rem3A_45, %dma_start3A_70, %dma_start3A_71] : memref<4x128x32xf32, #tpu.memory_space<vmem>> -> memref<1x128x32xf32, #tpu.memory_space<vmem>>
        %dma_start3A_73 = tpu.memref_squeeze %dma_start3A_72 : memref<1x128x32xf32, #tpu.memory_space<vmem>> -> memref<128x32xf32, #tpu.memory_space<vmem>>
        tpu.enqueue_dma source(%dma_start3A_73 : memref<128x32xf32, #tpu.memory_space<vmem>>) target(%dma_start3A_69 : memref<128x32xf32, #tpu.memory_space<hbm>>) target_semaphore(%run_scoped3A : memref<!tpu.dma_semaphore, #tpu.memory_space<semaphore_mem>>)
        %dma_wait3A_74 = arith.constant 0 : i32
        %dma_wait3A_75 = arith.constant 0 : i32
        %dma_wait3A_76 = tpu.memref_slice %arg8[%rem3A_45, %dma_wait3A_74, %dma_wait3A_75] : memref<4x128x32xf32, #tpu.memory_space<vmem>> -> memref<1x128x32xf32, #tpu.memory_space<vmem>>
        %dma_wait3A_77 = tpu.memref_squeeze %dma_wait3A_76 : memref<1x128x32xf32, #tpu.memory_space<vmem>> -> memref<128x32xf32, #tpu.memory_space<vmem>>
        %dma_wait3A_78 = arith.constant 0 : i32
        %dma_wait3A_79 = arith.constant 0 : i32
        %dma_wait3A_80 = tpu.memref_slice %arg5[%add3A_46, %dma_wait3A_78, %dma_wait3A_79] : memref<832x128x32xf32, #tpu.memory_space<hbm>> -> memref<1x128x32xf32, #tpu.memory_space<hbm>>
        %dma_wait3A_81 = tpu.memref_squeeze %dma_wait3A_80 : memref<1x128x32xf32, #tpu.memory_space<hbm>> -> memref<128x32xf32, #tpu.memory_space<hbm>>
        %dma_wait3A_82 = arith.constant 0 : i32
        %dma_wait3A_83 = arith.constant 0 : i32
        %dma_wait3A_84 = tpu.memref_slice %arg5[%add3A_46, %dma_wait3A_82, %dma_wait3A_83] : memref<832x128x32xf32, #tpu.memory_space<hbm>> -> memref<1x128x32xf32, #tpu.memory_space<hbm>>
        %dma_wait3A_85 = tpu.memref_squeeze %dma_wait3A_84 : memref<1x128x32xf32, #tpu.memory_space<hbm>> -> memref<128x32xf32, #tpu.memory_space<hbm>>
        %dma_wait3A_86 = arith.constant 0 : i32
        %dma_wait3A_87 = arith.constant 0 : i32
        %dma_wait3A_88 = tpu.memref_slice %arg8[%rem3A_45, %dma_wait3A_86, %dma_wait3A_87] : memref<4x128x32xf32, #tpu.memory_space<vmem>> -> memref<1x128x32xf32, #tpu.memory_space<vmem>>
        %dma_wait3A_89 = tpu.memref_squeeze %dma_wait3A_88 : memref<1x128x32xf32, #tpu.memory_space<vmem>> -> memref<128x32xf32, #tpu.memory_space<vmem>>
        tpu.wait_dma2 semaphore(%run_scoped3A : memref<!tpu.dma_semaphore, #tpu.memory_space<semaphore_mem>>) src(%dma_wait3A_89 : memref<128x32xf32, #tpu.memory_space<vmem>>) dst(%dma_wait3A_85 : memref<128x32xf32, #tpu.memory_space<hbm>>)
        tpu.yield
      }) : () -> ()
      %rem3A_47 = arith.constant 4 : i32
      %rem3A_48 = arith.remsi %scan3A_32, %rem3A_47 : i32
      %dma_start3A = arith.constant 0 : i32
      %dma_start3A_49 = arith.constant 0 : i32
      %dma_start3A_50 = tpu.memref_slice %arg8[%rem3A_48, %dma_start3A, %dma_start3A_49] : memref<4x128x32xf32, #tpu.memory_space<vmem>> -> memref<1x128x32xf32, #tpu.memory_space<vmem>>
      %dma_start3A_51 = tpu.memref_squeeze %dma_start3A_50 : memref<1x128x32xf32, #tpu.memory_space<vmem>> -> memref<128x32xf32, #tpu.memory_space<vmem>>
      %dma_start3A_52 = arith.constant 0 : i32
      %dma_start3A_53 = tpu.memref_slice %arg7[%scan3A_32, %dma_start3A_52] : memref<26x128xi32, #tpu.memory_space<vmem>> -> memref<1x128xi32, #tpu.memory_space<vmem>>
      %dma_start3A_54 = tpu.memref_squeeze %dma_start3A_53 : memref<1x128xi32, #tpu.memory_space<vmem>> -> memref<128xi32, #tpu.memory_space<vmem>>
      %dma_start3A_55 = arith.constant 0 : i32
      %dma_start3A_56 = arith.constant 0 : i32
      %dma_start3A_57 = tpu.memref_slice %arg3[%dma_start3A_55, %dma_start3A_56] : memref<2600000x32xf32, #tpu.memory_space<hbm>> -> memref<2600000x32xf32, #tpu.memory_space<hbm>>
      tpu.enqueue_indirect_dma source(%dma_start3A_57 : memref<2600000x32xf32, #tpu.memory_space<hbm>>) target(%dma_start3A_51 : memref<128x32xf32, #tpu.memory_space<vmem>>) offsets(%dma_start3A_54 : memref<128xi32, #tpu.memory_space<vmem>>) semaphore(%arg10 : memref<!tpu.dma_semaphore, #tpu.memory_space<semaphore_mem>>)
    }
    %scan3A_19 = arith.constant 22 : i32
    %scan3A_20 = arith.constant 0 : i32
    %scan3A_21 = arith.constant 22 : i32
    %scan3A_22 = arith.constant 4 : i32
    %scan3A_23 = arith.addi %scan3A_21, %scan3A_22 : i32
    %scan3A_24 = arith.constant 1 : i32
    scf.for %scan3A_32 = %scan3A_21 to %scan3A_23 step %scan3A_24  : i32 {
      %rem3A = arith.constant 4 : i32
      %rem3A_33 = arith.remsi %scan3A_32, %rem3A : i32
      %dma_wait3A = arith.constant 0 : i32
      %dma_wait3A_34 = arith.constant 0 : i32
      %dma_wait3A_35 = tpu.memref_slice %arg8[%rem3A_33, %dma_wait3A, %dma_wait3A_34] : memref<4x128x32xf32, #tpu.memory_space<vmem>> -> memref<1x128x32xf32, #tpu.memory_space<vmem>>
      %dma_wait3A_36 = tpu.memref_squeeze %dma_wait3A_35 : memref<1x128x32xf32, #tpu.memory_space<vmem>> -> memref<128x32xf32, #tpu.memory_space<vmem>>
      %dma_wait3A_37 = arith.constant 0 : i32
      %dma_wait3A_38 = tpu.memref_slice %arg7[%scan3A_32, %dma_wait3A_37] : memref<26x128xi32, #tpu.memory_space<vmem>> -> memref<1x128xi32, #tpu.memory_space<vmem>>
      %dma_wait3A_39 = tpu.memref_squeeze %dma_wait3A_38 : memref<1x128xi32, #tpu.memory_space<vmem>> -> memref<128xi32, #tpu.memory_space<vmem>>
      %dma_wait3A_40 = arith.constant 0 : i32
      %dma_wait3A_41 = arith.constant 0 : i32
      %dma_wait3A_42 = tpu.memref_slice %arg3[%dma_wait3A_40, %dma_wait3A_41] : memref<2600000x32xf32, #tpu.memory_space<hbm>> -> memref<2600000x32xf32, #tpu.memory_space<hbm>>
      tpu.wait_indirect_dma semaphore(%arg10 : memref<!tpu.dma_semaphore, #tpu.memory_space<semaphore_mem>>) src(%dma_wait3A_42 : memref<2600000x32xf32, #tpu.memory_space<hbm>>) dst(%dma_wait3A_36 : memref<128x32xf32, #tpu.memory_space<vmem>>)
      %rem3A_43 = arith.constant 4 : i32
      %rem3A_44 = arith.remsi %scan3A_32, %rem3A_43 : i32
      %add3A_45 = arith.addi %mul3A_2, %scan3A_32 : i32
      "tpu.region"() ({
        %run_scoped3A = tpu.sem_alloc : memref<!tpu.dma_semaphore, #tpu.memory_space<semaphore_mem>>
        %dma_start3A = arith.constant 0 : i32
        %dma_start3A_46 = arith.constant 0 : i32
        %dma_start3A_47 = tpu.memref_slice %arg8[%rem3A_44, %dma_start3A, %dma_start3A_46] : memref<4x128x32xf32, #tpu.memory_space<vmem>> -> memref<1x128x32xf32, #tpu.memory_space<vmem>>
        %dma_start3A_48 = tpu.memref_squeeze %dma_start3A_47 : memref<1x128x32xf32, #tpu.memory_space<vmem>> -> memref<128x32xf32, #tpu.memory_space<vmem>>
        %dma_start3A_49 = arith.constant 0 : i32
        %dma_start3A_50 = arith.constant 0 : i32
        %dma_start3A_51 = tpu.memref_slice %arg5[%add3A_45, %dma_start3A_49, %dma_start3A_50] : memref<832x128x32xf32, #tpu.memory_space<hbm>> -> memref<1x128x32xf32, #tpu.memory_space<hbm>>
        %dma_start3A_52 = tpu.memref_squeeze %dma_start3A_51 : memref<1x128x32xf32, #tpu.memory_space<hbm>> -> memref<128x32xf32, #tpu.memory_space<hbm>>
        %dma_start3A_53 = arith.constant 0 : i32
        %dma_start3A_54 = arith.constant 0 : i32
        %dma_start3A_55 = tpu.memref_slice %arg5[%add3A_45, %dma_start3A_53, %dma_start3A_54] : memref<832x128x32xf32, #tpu.memory_space<hbm>> -> memref<1x128x32xf32, #tpu.memory_space<hbm>>
        %dma_start3A_56 = tpu.memref_squeeze %dma_start3A_55 : memref<1x128x32xf32, #tpu.memory_space<hbm>> -> memref<128x32xf32, #tpu.memory_space<hbm>>
        %dma_start3A_57 = arith.constant 0 : i32
        %dma_start3A_58 = arith.constant 0 : i32
        %dma_start3A_59 = tpu.memref_slice %arg8[%rem3A_44, %dma_start3A_57, %dma_start3A_58] : memref<4x128x32xf32, #tpu.memory_space<vmem>> -> memref<1x128x32xf32, #tpu.memory_space<vmem>>
        %dma_start3A_60 = tpu.memref_squeeze %dma_start3A_59 : memref<1x128x32xf32, #tpu.memory_space<vmem>> -> memref<128x32xf32, #tpu.memory_space<vmem>>
        tpu.enqueue_dma source(%dma_start3A_60 : memref<128x32xf32, #tpu.memory_space<vmem>>) target(%dma_start3A_56 : memref<128x32xf32, #tpu.memory_space<hbm>>) target_semaphore(%run_scoped3A : memref<!tpu.dma_semaphore, #tpu.memory_space<semaphore_mem>>)
        %dma_wait3A_61 = arith.constant 0 : i32
        %dma_wait3A_62 = arith.constant 0 : i32
        %dma_wait3A_63 = tpu.memref_slice %arg8[%rem3A_44, %dma_wait3A_61, %dma_wait3A_62] : memref<4x128x32xf32, #tpu.memory_space<vmem>> -> memref<1x128x32xf32, #tpu.memory_space<vmem>>
        %dma_wait3A_64 = tpu.memref_squeeze %dma_wait3A_63 : memref<1x128x32xf32, #tpu.memory_space<vmem>> -> memref<128x32xf32, #tpu.memory_space<vmem>>
        %dma_wait3A_65 = arith.constant 0 : i32
        %dma_wait3A_66 = arith.constant 0 : i32
        %dma_wait3A_67 = tpu.memref_slice %arg5[%add3A_45, %dma_wait3A_65, %dma_wait3A_66] : memref<832x128x32xf32, #tpu.memory_space<hbm>> -> memref<1x128x32xf32, #tpu.memory_space<hbm>>
        %dma_wait3A_68 = tpu.memref_squeeze %dma_wait3A_67 : memref<1x128x32xf32, #tpu.memory_space<hbm>> -> memref<128x32xf32, #tpu.memory_space<hbm>>
        %dma_wait3A_69 = arith.constant 0 : i32
        %dma_wait3A_70 = arith.constant 0 : i32
        %dma_wait3A_71 = tpu.memref_slice %arg5[%add3A_45, %dma_wait3A_69, %dma_wait3A_70] : memref<832x128x32xf32, #tpu.memory_space<hbm>> -> memref<1x128x32xf32, #tpu.memory_space<hbm>>
        %dma_wait3A_72 = tpu.memref_squeeze %dma_wait3A_71 : memref<1x128x32xf32, #tpu.memory_space<hbm>> -> memref<128x32xf32, #tpu.memory_space<hbm>>
        %dma_wait3A_73 = arith.constant 0 : i32
        %dma_wait3A_74 = arith.constant 0 : i32
        %dma_wait3A_75 = tpu.memref_slice %arg8[%rem3A_44, %dma_wait3A_73, %dma_wait3A_74] : memref<4x128x32xf32, #tpu.memory_space<vmem>> -> memref<1x128x32xf32, #tpu.memory_space<vmem>>
        %dma_wait3A_76 = tpu.memref_squeeze %dma_wait3A_75 : memref<1x128x32xf32, #tpu.memory_space<vmem>> -> memref<128x32xf32, #tpu.memory_space<vmem>>
        tpu.wait_dma2 semaphore(%run_scoped3A : memref<!tpu.dma_semaphore, #tpu.memory_space<semaphore_mem>>) src(%dma_wait3A_76 : memref<128x32xf32, #tpu.memory_space<vmem>>) dst(%dma_wait3A_72 : memref<128x32xf32, #tpu.memory_space<hbm>>)
        tpu.yield
      }) : () -> ()
    }
    %scan3A_25 = arith.constant 4 : i32
    %scan3A_26 = arith.constant 0 : i32
    %scan3A_27 = arith.constant 0 : i32
    %scan3A_28 = arith.constant 26 : i32
    %scan3A_29 = arith.addi %scan3A_27, %scan3A_28 : i32
    %scan3A_30 = arith.constant 1 : i32
    scf.for %scan3A_32 = %scan3A_27 to %scan3A_29 step %scan3A_30  : i32 {
      %dma_wait3A = arith.constant 0 : i32
      %dma_wait3A_33 = tpu.memref_slice %arg9[%scan3A_32, %dma_wait3A] : memref<26x128xf32, #tpu.memory_space<vmem>> -> memref<1x128xf32, #tpu.memory_space<vmem>>
      %dma_wait3A_34 = tpu.memref_squeeze %dma_wait3A_33 : memref<1x128xf32, #tpu.memory_space<vmem>> -> memref<128xf32, #tpu.memory_space<vmem>>
      %dma_wait3A_35 = arith.constant 0 : i32
      %dma_wait3A_36 = tpu.memref_slice %arg7[%scan3A_32, %dma_wait3A_35] : memref<26x128xi32, #tpu.memory_space<vmem>> -> memref<1x128xi32, #tpu.memory_space<vmem>>
      %dma_wait3A_37 = tpu.memref_squeeze %dma_wait3A_36 : memref<1x128xi32, #tpu.memory_space<vmem>> -> memref<128xi32, #tpu.memory_space<vmem>>
      %dma_wait3A_38 = arith.constant 0 : i32
      %dma_wait3A_39 = tpu.memref_slice %arg4[%dma_wait3A_38] : memref<2600000xf32, #tpu.memory_space<hbm>> -> memref<2600000xf32, #tpu.memory_space<hbm>>
      tpu.wait_indirect_dma semaphore(%arg11 : memref<!tpu.dma_semaphore, #tpu.memory_space<semaphore_mem>>) src(%dma_wait3A_39 : memref<2600000xf32, #tpu.memory_space<hbm>>) dst(%dma_wait3A_34 : memref<128xf32, #tpu.memory_space<vmem>>)
    }
    %scan3A_31 = arith.constant 26 : i32
    "tpu.region"() ({
      %run_scoped3A = tpu.sem_alloc : memref<!tpu.dma_semaphore, #tpu.memory_space<semaphore_mem>>
      %dma_start3A = arith.constant 0 : i32
      %dma_start3A_32 = arith.constant 0 : i32
      %dma_start3A_33 = tpu.memref_slice %arg6[%add3A, %dma_start3A, %dma_start3A_32] : memref<32x26x128xf32, #tpu.memory_space<hbm>> -> memref<1x26x128xf32, #tpu.memory_space<hbm>>
      %dma_start3A_34 = tpu.memref_squeeze %dma_start3A_33 : memref<1x26x128xf32, #tpu.memory_space<hbm>> -> memref<26x128xf32, #tpu.memory_space<hbm>>
      %dma_start3A_35 = arith.constant 0 : i32
      %dma_start3A_36 = arith.constant 0 : i32
      %dma_start3A_37 = tpu.memref_slice %arg6[%add3A, %dma_start3A_35, %dma_start3A_36] : memref<32x26x128xf32, #tpu.memory_space<hbm>> -> memref<1x26x128xf32, #tpu.memory_space<hbm>>
      %dma_start3A_38 = tpu.memref_squeeze %dma_start3A_37 : memref<1x26x128xf32, #tpu.memory_space<hbm>> -> memref<26x128xf32, #tpu.memory_space<hbm>>
      tpu.enqueue_dma source(%arg9 : memref<26x128xf32, #tpu.memory_space<vmem>>) target(%dma_start3A_38 : memref<26x128xf32, #tpu.memory_space<hbm>>) target_semaphore(%run_scoped3A : memref<!tpu.dma_semaphore, #tpu.memory_space<semaphore_mem>>)
      %dma_wait3A = arith.constant 0 : i32
      %dma_wait3A_39 = arith.constant 0 : i32
      %dma_wait3A_40 = tpu.memref_slice %arg6[%add3A, %dma_wait3A, %dma_wait3A_39] : memref<32x26x128xf32, #tpu.memory_space<hbm>> -> memref<1x26x128xf32, #tpu.memory_space<hbm>>
      %dma_wait3A_41 = tpu.memref_squeeze %dma_wait3A_40 : memref<1x26x128xf32, #tpu.memory_space<hbm>> -> memref<26x128xf32, #tpu.memory_space<hbm>>
      %dma_wait3A_42 = arith.constant 0 : i32
      %dma_wait3A_43 = arith.constant 0 : i32
      %dma_wait3A_44 = tpu.memref_slice %arg6[%add3A, %dma_wait3A_42, %dma_wait3A_43] : memref<32x26x128xf32, #tpu.memory_space<hbm>> -> memref<1x26x128xf32, #tpu.memory_space<hbm>>
      %dma_wait3A_45 = tpu.memref_squeeze %dma_wait3A_44 : memref<1x26x128xf32, #tpu.memory_space<hbm>> -> memref<26x128xf32, #tpu.memory_space<hbm>>
      tpu.wait_dma2 semaphore(%run_scoped3A : memref<!tpu.dma_semaphore, #tpu.memory_space<semaphore_mem>>) src(%arg9 : memref<26x128xf32, #tpu.memory_space<vmem>>) dst(%dma_wait3A_45 : memref<26x128xf32, #tpu.memory_space<hbm>>)
      tpu.yield
    }) : () -> ()
    return
  }
}

module attributes {stable_mosaic.version = 14 : i64} {
  func.func @body(%arg0: i32, %arg1: memref<256x832xf32, #tpu.memory_space<vmem>>, %arg2: memref<256x26xf32, #tpu.memory_space<vmem>>, %arg3: memref<256x26xf32, #tpu.memory_space<vmem>>, %arg4: memref<256x832xf32, #tpu.memory_space<vmem>>, %arg5: memref<832x432xf32, #tpu.memory_space<vmem>>, %arg6: memref<1x400xf32, #tpu.memory_space<vmem>>, %arg7: memref<400x400xf32, #tpu.memory_space<vmem>>, %arg8: memref<1x400xf32, #tpu.memory_space<vmem>>, %arg9: memref<400x400xf32, #tpu.memory_space<vmem>>, %arg10: memref<1x400xf32, #tpu.memory_space<vmem>>, %arg11: memref<1x1xf32, #tpu.memory_space<smem>>, %arg12: memref<256x1xf32, #tpu.memory_space<vmem>>) attributes {dimension_semantics = [#tpu.dimension_semantics<arbitrary>], iteration_bounds = array<i64: 16>, scalar_prefetch = 0 : i64, scratch_operands = 0 : i64, tpu.core_type = #tpu.core_type<tc>, window_params = [{transform_indices = @transform_0, window_bounds = array<i64: 256, 832>}, {transform_indices = @transform_1, window_bounds = array<i64: 256, 26>}, {transform_indices = @transform_2, window_bounds = array<i64: 256, 26>}, {transform_indices = @transform_3, window_bounds = array<i64: 256, 832>}, {pipeline_mode = #tpu.pipeline_mode<synchronous>, transform_indices = @transform_4, window_bounds = array<i64: 832, 432>}, {pipeline_mode = #tpu.pipeline_mode<synchronous>, transform_indices = @transform_5, window_bounds = array<i64: 1, 400>}, {pipeline_mode = #tpu.pipeline_mode<synchronous>, transform_indices = @transform_6, window_bounds = array<i64: 400, 400>}, {pipeline_mode = #tpu.pipeline_mode<synchronous>, transform_indices = @transform_7, window_bounds = array<i64: 1, 400>}, {pipeline_mode = #tpu.pipeline_mode<synchronous>, transform_indices = @transform_8, window_bounds = array<i64: 400, 400>}, {pipeline_mode = #tpu.pipeline_mode<synchronous>, transform_indices = @transform_9, window_bounds = array<i64: 1, 400>}, {transform_indices = @transform_10, window_bounds = array<i64: 1, 1>}, {transform_indices = @transform_11, window_bounds = array<i64: 256, 1>}]} {
    %get3A = arith.constant 0 : index
    %get3A_0 = arith.constant 0 : index
    %get3A_1 = vector.load %arg1[%get3A, %get3A_0] : memref<256x832xf32, #tpu.memory_space<vmem>>, vector<256x832xf32>
    %get3A_2 = arith.constant 0 : index
    %get3A_3 = arith.constant 0 : index
    %get3A_4 = vector.load %arg4[%get3A_2, %get3A_3] : memref<256x832xf32, #tpu.memory_space<vmem>>, vector<256x832xf32>
    %mul3A = arith.mulf %get3A_1, %get3A_4 : vector<256x832xf32>
    %get3A_5 = arith.constant 0 : index
    %get3A_6 = arith.constant 0 : index
    %get3A_7 = vector.load %arg5[%get3A_5, %get3A_6] : memref<832x432xf32, #tpu.memory_space<vmem>>, vector<832x432xf32>
    %dot_general3A = arith.constant dense<0.000000e+00> : vector<256x432xf32>
    %dot_general3A_8 = tpu.matmul %mul3A, %get3A_7, %dot_general3A {dimension_numbers = #tpu.dot_dimension_numbers<[1], [0], [0], [1], [0, 0, 1, 1], [], []>, transpose_lhs_hint = false} : vector<256x832xf32>, vector<832x432xf32>, vector<256x432xf32> -> vector<256x432xf32>
    %slice3A = vector.extract_strided_slice %dot_general3A_8 {offsets = [0, 400], sizes = [256, 32], strides = [1, 1]} : vector<256x432xf32> to vector<256x32xf32>
    %mul3A_9 = arith.mulf %slice3A, %slice3A : vector<256x32xf32>
    %reduce_sum3A = arith.constant dense<0.000000e+00> : vector<256xf32>
    %reduce_sum3A_10 = vector.multi_reduction <add>, %mul3A_9, %reduce_sum3A [1] : vector<256x32xf32> to vector<256xf32>
    %broadcast_in_dim3A = vector.shape_cast %reduce_sum3A_10 : vector<256xf32> to vector<256x1xf32>
    %mul3A_11 = arith.mulf %mul3A, %mul3A : vector<256x832xf32>
    %reduce_sum3A_12 = arith.constant dense<0.000000e+00> : vector<256xf32>
    %reduce_sum3A_13 = vector.multi_reduction <add>, %mul3A_11, %reduce_sum3A_12 [1] : vector<256x832xf32> to vector<256xf32>
    %broadcast_in_dim3A_14 = vector.shape_cast %reduce_sum3A_13 : vector<256xf32> to vector<256x1xf32>
    %sub3A = arith.subf %broadcast_in_dim3A, %broadcast_in_dim3A_14 : vector<256x1xf32>
    %mul3A_15 = arith.constant 5.000000e-01 : f32
    %mul3A_16 = vector.broadcast %mul3A_15 : f32 to vector<256x1xf32>
    %mul3A_17 = arith.mulf %mul3A_16, %sub3A : vector<256x1xf32>
    %get3A_18 = arith.constant 0 : index
    %get3A_19 = arith.constant 0 : index
    %get3A_20 = vector.load %arg2[%get3A_18, %get3A_19] : memref<256x26xf32, #tpu.memory_space<vmem>>, vector<256x26xf32>
    %get3A_21 = arith.constant 0 : index
    %get3A_22 = arith.constant 0 : index
    %get3A_23 = vector.load %arg3[%get3A_21, %get3A_22] : memref<256x26xf32, #tpu.memory_space<vmem>>, vector<256x26xf32>
    %mul3A_24 = arith.mulf %get3A_20, %get3A_23 : vector<256x26xf32>
    %reduce_sum3A_25 = arith.constant dense<0.000000e+00> : vector<256xf32>
    %reduce_sum3A_26 = vector.multi_reduction <add>, %mul3A_24, %reduce_sum3A_25 [1] : vector<256x26xf32> to vector<256xf32>
    %broadcast_in_dim3A_27 = vector.shape_cast %reduce_sum3A_26 : vector<256xf32> to vector<256x1xf32>
    %slice3A_28 = vector.extract_strided_slice %dot_general3A_8 {offsets = [0, 0], sizes = [256, 400], strides = [1, 1]} : vector<256x432xf32> to vector<256x400xf32>
    %get3A_29 = arith.constant 0 : index
    %get3A_30 = arith.constant 0 : index
    %get3A_31 = vector.load %arg6[%get3A_29, %get3A_30] : memref<1x400xf32, #tpu.memory_space<vmem>>, vector<1x400xf32>
    %add3A = vector.broadcast %get3A_31 : vector<1x400xf32> to vector<256x400xf32>
    %add3A_32 = arith.addf %slice3A_28, %add3A : vector<256x400xf32>
    %max3A = arith.constant 0.000000e+00 : f32
    %max3A_33 = vector.broadcast %max3A : f32 to vector<256x400xf32>
    %max3A_34 = arith.maximumf %add3A_32, %max3A_33 : vector<256x400xf32>
    %get3A_35 = arith.constant 0 : index
    %get3A_36 = arith.constant 0 : index
    %get3A_37 = vector.load %arg7[%get3A_35, %get3A_36] : memref<400x400xf32, #tpu.memory_space<vmem>>, vector<400x400xf32>
    %dot_general3A_38 = arith.constant dense<0.000000e+00> : vector<256x400xf32>
    %dot_general3A_39 = tpu.matmul %max3A_34, %get3A_37, %dot_general3A_38 {dimension_numbers = #tpu.dot_dimension_numbers<[1], [0], [0], [1], [0, 0, 1, 1], [], []>, transpose_lhs_hint = false} : vector<256x400xf32>, vector<400x400xf32>, vector<256x400xf32> -> vector<256x400xf32>
    %get3A_40 = arith.constant 0 : index
    %get3A_41 = arith.constant 0 : index
    %get3A_42 = vector.load %arg8[%get3A_40, %get3A_41] : memref<1x400xf32, #tpu.memory_space<vmem>>, vector<1x400xf32>
    %add3A_43 = vector.broadcast %get3A_42 : vector<1x400xf32> to vector<256x400xf32>
    %add3A_44 = arith.addf %dot_general3A_39, %add3A_43 : vector<256x400xf32>
    %max3A_45 = arith.constant 0.000000e+00 : f32
    %max3A_46 = vector.broadcast %max3A_45 : f32 to vector<256x400xf32>
    %max3A_47 = arith.maximumf %add3A_44, %max3A_46 : vector<256x400xf32>
    %get3A_48 = arith.constant 0 : index
    %get3A_49 = arith.constant 0 : index
    %get3A_50 = vector.load %arg9[%get3A_48, %get3A_49] : memref<400x400xf32, #tpu.memory_space<vmem>>, vector<400x400xf32>
    %dot_general3A_51 = arith.constant dense<0.000000e+00> : vector<256x400xf32>
    %dot_general3A_52 = tpu.matmul %max3A_47, %get3A_50, %dot_general3A_51 {dimension_numbers = #tpu.dot_dimension_numbers<[1], [0], [0], [1], [0, 0, 1, 1], [], []>, transpose_lhs_hint = false} : vector<256x400xf32>, vector<400x400xf32>, vector<256x400xf32> -> vector<256x400xf32>
    %get3A_53 = arith.constant 0 : index
    %get3A_54 = arith.constant 0 : index
    %get3A_55 = vector.load %arg10[%get3A_53, %get3A_54] : memref<1x400xf32, #tpu.memory_space<vmem>>, vector<1x400xf32>
    %add3A_56 = vector.broadcast %get3A_55 : vector<1x400xf32> to vector<256x400xf32>
    %add3A_57 = arith.addf %dot_general3A_52, %add3A_56 : vector<256x400xf32>
    %max3A_58 = arith.constant 0.000000e+00 : f32
    %max3A_59 = vector.broadcast %max3A_58 : f32 to vector<256x400xf32>
    %max3A_60 = arith.maximumf %add3A_57, %max3A_59 : vector<256x400xf32>
    %reduce_sum3A_61 = arith.constant dense<0.000000e+00> : vector<256xf32>
    %reduce_sum3A_62 = vector.multi_reduction <add>, %max3A_60, %reduce_sum3A_61 [1] : vector<256x400xf32> to vector<256xf32>
    %broadcast_in_dim3A_63 = vector.shape_cast %reduce_sum3A_62 : vector<256xf32> to vector<256x1xf32>
    %add3A_64 = arith.addf %broadcast_in_dim3A_27, %mul3A_17 : vector<256x1xf32>
    %add3A_65 = arith.addf %add3A_64, %broadcast_in_dim3A_63 : vector<256x1xf32>
    %get3A_66 = arith.constant 0 : index
    %get3A_67 = arith.constant 0 : index
    %get3A_68 = memref.load %arg11[%get3A_66, %get3A_67] : memref<1x1xf32, #tpu.memory_space<smem>>
    %add3A_69 = vector.broadcast %get3A_68 : f32 to vector<256x1xf32>
    %add3A_70 = arith.addf %add3A_65, %add3A_69 : vector<256x1xf32>
    %swap3A = arith.constant 0 : index
    %swap3A_71 = arith.constant 0 : index
    %swap3A_72 = vector.load %arg12[%swap3A, %swap3A_71] : memref<256x1xf32, #tpu.memory_space<vmem>>, vector<256x1xf32>
    tpu.vector_store %arg12[%swap3A, %swap3A_71], %add3A_70 {strides = array<i32>} : memref<256x1xf32, #tpu.memory_space<vmem>>, vector<256x1xf32>,
    return
  }
  func.func @transform_0(%arg0: i32) -> (i32, i32) {
    %c0_i32 = arith.constant 0 : i32
    %c0_i32_0 = arith.constant 0 : i32
    return %arg0, %c0_i32 : i32, i32
  }
  func.func @transform_1(%arg0: i32) -> (i32, i32) {
    %c0_i32 = arith.constant 0 : i32
    %c0_i32_0 = arith.constant 0 : i32
    return %arg0, %c0_i32 : i32, i32
  }
  func.func @transform_2(%arg0: i32) -> (i32, i32) {
    %c0_i32 = arith.constant 0 : i32
    %c0_i32_0 = arith.constant 0 : i32
    return %arg0, %c0_i32 : i32, i32
  }
  func.func @transform_3(%arg0: i32) -> (i32, i32) {
    %c0_i32 = arith.constant 0 : i32
    %c0_i32_0 = arith.constant 0 : i32
    return %arg0, %c0_i32 : i32, i32
  }
  func.func @transform_4(%arg0: i32) -> (i32, i32) {
    %c0_i32 = arith.constant 0 : i32
    %c0_i32_0 = arith.constant 0 : i32
    %c0_i32_1 = arith.constant 0 : i32
    return %c0_i32, %c0_i32_0 : i32, i32
  }
  func.func @transform_5(%arg0: i32) -> (i32, i32) {
    %c0_i32 = arith.constant 0 : i32
    %c0_i32_0 = arith.constant 0 : i32
    %c0_i32_1 = arith.constant 0 : i32
    return %c0_i32, %c0_i32_0 : i32, i32
  }
  func.func @transform_6(%arg0: i32) -> (i32, i32) {
    %c0_i32 = arith.constant 0 : i32
    %c0_i32_0 = arith.constant 0 : i32
    %c0_i32_1 = arith.constant 0 : i32
    return %c0_i32, %c0_i32_0 : i32, i32
  }
  func.func @transform_7(%arg0: i32) -> (i32, i32) {
    %c0_i32 = arith.constant 0 : i32
    %c0_i32_0 = arith.constant 0 : i32
    %c0_i32_1 = arith.constant 0 : i32
    return %c0_i32, %c0_i32_0 : i32, i32
  }
  func.func @transform_8(%arg0: i32) -> (i32, i32) {
    %c0_i32 = arith.constant 0 : i32
    %c0_i32_0 = arith.constant 0 : i32
    %c0_i32_1 = arith.constant 0 : i32
    return %c0_i32, %c0_i32_0 : i32, i32
  }
  func.func @transform_9(%arg0: i32) -> (i32, i32) {
    %c0_i32 = arith.constant 0 : i32
    %c0_i32_0 = arith.constant 0 : i32
    %c0_i32_1 = arith.constant 0 : i32
    return %c0_i32, %c0_i32_0 : i32, i32
  }
  func.func @transform_10(%arg0: i32) -> (i32, i32) {
    %c0_i32 = arith.constant 0 : i32
    %c0_i32_0 = arith.constant 0 : i32
    %c0_i32_1 = arith.constant 0 : i32
    return %c0_i32, %c0_i32_0 : i32, i32
  }
  func.func @transform_11(%arg0: i32) -> (i32, i32) {
    %c0_i32 = arith.constant 0 : i32
    %c0_i32_0 = arith.constant 0 : i32
    return %arg0, %c0_i32 : i32, i32
  }
}

</mosaic_0001>

<sc_bundles>
// kernel: kernel.4.cloned.1.call-start
scs
__scs_entry_jumppad:
0x0: {  	(pc) =	sbr.rel $0x88, $3  }
0x1: {  	(tag) =	ssettag $0x0;
	lr =	simm.s32 $0x1  }
0x2: {  	[smem:$0x3F96] =	sst lr;
	_ =	strace $0xD0000000  }
0x3: {  	_ = 	snop  }
0x4: {  	_ = 	snop  }
0x5: {  	_ = 	snop  }
0x6: {  	_ = 	snop  }
0x7: {  	_ = 	snop  }
__scs_overlays_trampoline_lowered:
0x8: {  	[smem:$0x3FA5] =	sst s0  }
0x9: {  	[smem:$0x3FA6] =	sst s1  }
0xa: {  	[smem:$0x3FA7] =	sst s2  }
0xb: {  	[smem:$0x3FA8] =	sst s3  }
0xc: {  	[smem:$0x3FA9] =	sst s4  }
0xd: {  	[smem:$0x3FAA] =	sst s5  }
0xe: {  	[smem:$0x3FAB] =	sst s6  }
0xf: {  	[smem:$0x3FAC] =	sst s7  }
0x10: {  	[smem:$0x3FAD] =	sst s8  }
0x11: {  	[smem:$0x3FAE] =	sst s9;
	s0 =	simm.s32 @!p0 $0x0  }
0x12: {  	s1 =	sld [smem:$0x3F94];
	s0 =	simm.s32 @p0 $0x1  }
0x13: {  	[smem:$0x3FAF] =	sst s0;
	s0 =	simm.s32 @!p1 $0x0  }
0x14: {  	s2 =	sld [smem:$0x3F93];
	s0 =	simm.s32 @p1 $0x1  }
0x15: {  	[smem:$0x3FB0] =	sst s0;
	s0 =	simm.s32 @!p2 $0x0  }
0x16: {  	s3 =	sld [smem:$0x3FDB];
	s0 =	simm.s32 @p2 $0x1  }
0x17: {  	s4 =	simm.s32 $0x1BF5;
	[smem:$0x3FB2] =	sst s0  }
0x18: {  	s0 =	sld [smem:$0x3F95];
	_ =	swait.ge [sflag:s4], $0x0  }
0x19: {  	s7 =	sld [smem:$0x3F96]  }
0x1a: {  	s8 =	sadd.s32 $0xFFFFE003, lr  }
0x1b: {  	s9 =	sadd.s32 $0xFFFFFEF7, lr;
	s5 =	simm.s32 $0xFFFFFFFF;
	p2 =	slt.u32 s8, $0xFFFFF086  }
0x1c: {  	p1 =	slt.u32 s9, $0xF7A;
	s5 =	simm.s32 @!p2 $0x0  }
0x1d: {  	s5 =	simm.s32 @p1 $0x1;
	p0 =	seq.s32 s7, s2  }
0x1e: {  	s7 =	smul.u32 @!p0 $0xF7A, s2;
	p2 =	seq.s32 @!p0 s5, $0x0  }
0x1f: {  	s9 =	smul.u32 $0xF7A, s1;
	s8 =	simm.s32 @!p0 $0x1BF5;
	p2 =	por !p2, p0  }
0x20: {  	[sflag:s8] =	ssyncset.s32 @!p0 $0xFFFFF086;
	s6 =	sadd.s32 @!p0 s3, s7;
	s7 =	simm.s32 @!p0 $0x108  }
0x21: {  	s3 =	sadd.s32 s3, s9;
	s6 =	sadd.s32 @!p0 $0x88, s6;
	s7 =	simm.s32 @p2 $0x1082  }
0x22: {  	[simem:s7], [sflag:s8] =	dma.local @!p0 [hbm:s6], $0xF7A  }
0x23: {  	s9 =	sor.u32 $0xD0000000, s2;
	s6 =	simm.s32 $0x108;
	_ =	swait.ge @!p0 [sflag:s8], $0x0  }
0x24: {  	s3 =	sadd.s32 $0x88, s3;
	s6 =	simm.s32 @!p1 $0x1082;
	[sflag:s4] =	ssyncset.s32 $0xFFFFF086  }
0x25: {  	[simem:s6], [sflag:s4] =	dma.local [hbm:s3], $0xF7A  }
0x26: {  	[smem:$0x3F96] =	sst s1;
	(tag) =	ssettag s2;
	_ =	strace s9  }
0x27: {  	s1 =	sld [smem:$0x3FA6]  }
0x28: {  	s2 =	sld [smem:$0x3FA7]  }
0x29: {  	s4 =	sld [smem:$0x3FA9]  }
0x2a: {  	p0 =	seq.s32 s5, $0x0;
	s5 =	sld [smem:$0x3FAA]  }
0x2b: {  	s6 =	sld [smem:$0x3FAB]  }
0x2c: {  	s7 =	sld [smem:$0x3FAC]  }
0x2d: {  	s3 =	simm.s32 $0x108;
	s8 =	sld [smem:$0x3FAD]  }
0x2e: {  	s3 =	simm.s32 @!p0 $0x1082;
	s9 =	sld [smem:$0x3FAE]  }
0x2f: {  	lr =	sadd.s32 s0, s3;
	s0 =	sld [smem:$0x3FA5]  }
0x30: {  	s3 =	sld [smem:$0x3FA8]  }
0x31: {  	[smem:$0x3FB1] =	sst s10  }
0x32: {  	s10 =	sld [smem:$0x3FAF];
	_ =	sdelay $0x3  }
0x33: {  	p0 =	seq.s32 s10, $0x1;
	s10 =	sld [smem:$0x3FB1];
	_ =	sdelay $0x3  }
0x34: {  	[smem:$0x3FB1] =	sst s10  }
0x35: {  	s10 =	sld [smem:$0x3FB0];
	_ =	sdelay $0x3  }
0x36: {  	p1 =	seq.s32 s10, $0x1;
	s10 =	sld [smem:$0x3FB1];
	_ =	sdelay $0x3  }
0x37: {  	[smem:$0x3FB1] =	sst s10  }
0x38: {  	s10 =	sld [smem:$0x3FB2]  }
0x39: {  	_ = 	snop;
	(pc) =	sbr.ind lr, $3  }
0x3a: {  	_ = 	snop  }
0x3b: {  	_ = 	snop  }
0x3c: {  	p2 =	seq.s32 s10, $0x1;
	s10 =	sld [smem:$0x3FB1]  }
0x3d: {  	_ =	shalt  }
0x3e: {  	_ =	shalt  }
0x3f: {  	_ =	shalt  }
0x40: {  	_ =	shalt  }
0x41: {  	_ =	shalt  }
0x42: {  	_ =	shalt  }
0x43: {  	_ =	shalt  }
0x44: {  	_ =	shalt  }
0x45: {  	_ =	shalt  }
0x46: {  	_ =	shalt  }
0x47: {  	_ =	shalt  }
0x48: {  	_ =	shalt  }
0x49: {  	_ =	shalt  }
0x4a: {  	_ =	shalt  }
0x4b: {  	_ =	shalt  }
0x4c: {  	_ =	shalt  }
0x4d: {  	_ =	shalt  }
0x4e: {  	_ =	shalt  }
0x4f: {  	_ =	shalt  }
0x50: {  	_ =	shalt  }
0x51: {  	_ =	shalt  }
0x52: {  	_ =	shalt  }
0x53: {  	_ =	shalt  }
0x54: {  	_ =	shalt  }
0x55: {  	_ =	shalt  }
0x56: {  	_ =	shalt  }
0x57: {  	_ =	shalt  }
0x58: {  	_ =	shalt  }
0x59: {  	_ =	shalt  }
0x5a: {  	_ =	shalt  }
0x5b: {  	_ =	shalt  }
0x5c: {  	_ =	shalt  }
0x5d: {  	_ =	shalt  }
0x5e: {  	_ =	shalt  }
0x5f: {  	_ =	shalt  }
0x60: {  	_ =	shalt  }
0x61: {  	_ =	shalt  }
0x62: {  	_ =	shalt  }
0x63: {  	_ =	shalt  }
0x64: {  	_ =	shalt  }
0x65: {  	_ =	shalt  }
0x66: {  	_ =	shalt  }
0x67: {  	_ =	shalt  }
0x68: {  	_ =	shalt  }
0x69: {  	_ =	shalt  }
0x6a: {  	_ =	shalt  }
0x6b: {  	_ =	shalt  }
0x6c: {  	_ =	shalt  }
0x6d: {  	_ =	shalt  }
0x6e: {  	_ =	shalt  }
0x6f: {  	_ =	shalt  }
0x70: {  	_ =	shalt  }
0x71: {  	_ =	shalt  }
0x72: {  	_ =	shalt  }
0x73: {  	_ =	shalt  }
0x74: {  	_ =	shalt  }
0x75: {  	_ =	shalt  }
0x76: {  	_ =	shalt  }
0x77: {  	_ =	shalt  }
0x78: {  	_ =	shalt  }
0x79: {  	_ =	shalt  }
0x7a: {  	_ =	shalt  }
0x7b: {  	_ =	shalt  }
0x7c: {  	_ =	shalt  }
0x7d: {  	_ =	shalt  }
0x7e: {  	_ =	shalt  }
0x7f: {  	_ =	shalt  }
0x80: {  	_ =	shalt  }
0x81: {  	_ =	shalt  }
0x82: {  	_ =	shalt  }
0x83: {  	_ =	shalt  }
0x84: {  	_ =	shalt  }
0x85: {  	_ =	shalt  }
0x86: {  	_ =	shalt  }
0x87: {  	_ =	shalt  }
.Lfunc_end0:
.L_simem_size_0:
called_computation_lowered:
.L_overlay_start_0:
0x88: {  	s2 =	sld [smem:$0x3FD9]  }
0x89: {  	s3 =	sld [smem:$0x3FFE];
	_ =	sdelay $0x1  }
0x8a: {  	s1 =	srdreg.scid  }
0x8b: {  	s0 =	sand.u32 $0x1, s1  }
0x8c: {  	s16 =	sshll.u32 s0, $0xA;
	s2 =	sadd.s32 s3, s2  }
0x8d: {  	s2 =	sadd.s32 s2, s16  }
0x8e: {  	[smem:$0x3FBD] =	sst s2  }
0x8f: {  	_ = 	snop  }
0x90: {  	(tm) =	ssettm $0x1  }
0x91: {  	s17 =	sld [smem:$0x3FFB];
	_ =	sdelay $0x3  }
0x92: {  	_ =	strace s17  }
0x93: {  	s2 =	sld [smem:$0x3FFC];
	_ =	sdelay $0x3  }
0x94: {  	_ =	strace s2  }
0x95: {  	s2 =	sld [smem:$0x3FFD];
	_ =	sdelay $0x3  }
0x96: {  	_ =	strace s2  }
0x97: {  	_ =	strace $0x8FFFFFFF  }
0x98: {  	s18 =	sld [smem:$0x3FDB];
	_ =	sdelay $0x1  }
0x99: {  	s19 =	simm.s32 $_scs_section_size  }
0x9a: {  	s4 =	simm.s32 $_size__tile_overlayer_lowered;
	s5 =	simm.s32 $_tile_overlayer_lowered  }
0x9b: {  	s22 =	simm.s32 $0x1BFF;
	s21 =	sshll.u32 s5, $0x1;
	s2 =	sadd.s32 s19, s18  }
0x9c: {  	s6 =	simm.s32 $0x0;
	s20 =	sshll.u32 s4, $0x1;
	s4 =	sadd.s32 s21, s2  }
0x9d: {  	[timem:s6], [sflag:s22] =	dma.local [hbm:s4], s20  }
0x9e: {  	_ =	swait.ge [sflag:s22], s20  }
0x9f: {  	s3 =	ssub.s32 $0x0, s20;
	[sflag:s22] =	ssyncset.done $0x0  }
0xa0: {  	[sflag:s22] =	ssyncadd.s32 s3;
	_ =	sdelay $0x1  }
0xa1: {  	s23 =	simm.s32 $0x1B8B  }
0xa2: {  	_ =	swait.ge [sflag:s23], $0x1  }
0xa3: {  	[sflag:s23] =	ssyncset.done $0x0  }
0xa4: {  	s25 =	simm.s32 $0x1B8E;
	s24 =	sld [smem:$0x3FFE];
	[sflag:s23] =	ssyncadd.s32 $0xFFFFFFFF  }
0xa5: {  	s26 =	simm.s32 $execute0_lowered;
	[smem:$0x3FD2] =	sst s25  }
0xa6: {  	s4 =	sshll.u32 s26, $0x1;
	_ =	strace $0x80000046;
	[dreg:$0x1] =	wrdreg $0xFFFFFFFF  }
0xa7: {  	s28 =	simm.s32 $_size_execute0_lowered;
	s2 =	sadd.s32 s2, s4;
	[dreg:$0x0] =	wrdreg $0x0  }
0xa8: {  	s4 =	sshll.u32 s28, $0x1;
	[dreg:$0x2] =	wrdreg s2  }
0xa9: {  	[dreg:$0x3] =	wrdreg s4  }
0xaa: {  	[dreg:$0x4] =	wrdreg $0xC0  }
0xab: {  	_ =	task [dreg:s6], $0x5FFFF  }
0xac: {  	[dreg:$0x1] =	wrdreg $0xFFFFFFFF  }
0xad: {  	[dreg:$0x0] =	wrdreg $0x60  }
0xae: {  	[dreg:$0x2] =	wrdreg s24  }
0xaf: {  	[dreg:$0x3] =	wrdreg $0x9  }
0xb0: {  	_ =	task.clear_ibuf [dreg:s6], $0x4FFFF;
	_ =	strace $0x90000046  }
0xb1: {  	s29 =	simm.s32 $0x9;
	_ =	strace $0x80000048  }
0xb2: {  	_ =	swait.ge [sflag:s29], $0x1  }
0xb3: {  	[sflag:s29] =	ssyncadd.s32 $0xFFFFFFFF  }
0xb4: {  	_ =	strace $0x90000048  }
0xb5: {  	_ =	sfence  }
0xb6: {  	s30 =	sld [smem:$0x0];
	_ =	sdelay $0x2  }
0xb7: {  	s31 =	sshll.u32 s1, $0xD;
	s1 =	sshrl.u32 s1, $0x2  }
0xb8: {  	s3 =	sand.u32 $0x4000, s31;
	s1 =	sadd.s32 s1, s30  }
0xb9: {  	s0 =	sor.u32 s3, s0;
	s1 =	sshll.u32 s1, $0x11  }
0xba: {  	s0 =	sor.u32 s1, s0  }
0xbb: {  	s0 =	sadd.s32 $0x8F2B, s0  }
0xbc: {  	[sflag:s0] =	ssyncadd.remote.s32 $0x1  }
0xbd: {  	_ =	sfence.sel $0xFFFF  }
0xbe: {  	[dreg:$0x0] =	wrdreg $0xFFFFFFFF;
	(pc) =	sbr.abs _section_cstart, $3  }
0xbf: {  	[dreg:$0x1] =	wrdreg $0xFFFFFFFF  }
0xc0: {  	_ =	task.clear_ibuf [dreg:s6], $0x2FFFF;
	_ =	strace $0x9FFFFFFF  }
0xc1: {  	(tm) =	ssettm $0x7FFFFFFF  }
tec
execute0_lowered:
.L_overlay_start_1:
0x0: {  	(tag) =	ssettag $0x1  }
0x1: {  	s0 =	rddreg [dreg:$0x0]  }
0x2: {  	s1 =	srdreg.scid;
	s9 =	stileid.u32;
	s2 =	simm.s32 $0x0  }
0x3: {  	s13 =	simm.s32 $0x3;
	s14 =	simm.s32 $0x80;
	s15 =	simm.s32 $0x4D00  }
0x4: {  	s17 =	simm.s32 $0x100;
	s19 =	simm.s32 $0x180;
	s18 =	simm.s32 $0xD00  }
0x5: {  	s20 =	simm.s32 $0x1D00;
	s21 =	simm.s32 $0x2D00;
	s22 =	simm.s32 $0x3D00  }
0x6: {  	s23 =	simm.s32 $0x1;
	s24 =	simm.s32 $0x2;
	s25 =	simm.s32 $0x0  }
0x7: {  	s1 =	sand.u32 $0x1, s1;
	s3 =	sshll.u32 s9, $0x1;
	[smem:$0x7FF] =	sst s2  }
0x8: {  	s30 =	smul.u32 $0x6800, s9;
	s5 =	sor.u32 s1, s3;
	s7 =	ssub.s32 $0x2, s1  }
0x9: {  	s4 =	sadd.s32 $0x1800, s0;
	s6 =	smul.u32 $0x1A0, s5;
	s8 =	sshrl.u32 s7, $0x1  }
0xa: {  	_ =	strace $0x80000047;
	s3 =	sadd.s32 $0x27ADC00, s0;
	s7 =	ssub.s32 s7, s8  }
0xb: {  	s1 =	smul.u32 $0x3400, s1;
	s6 =	sadd.s32 s6, s0;
	s7 =	smax.u32 s7, $0x1  }
0xc: {  	s5 =	smul.u32 $0x3400, s5;
	s29 =	sadd.s32 $0x50E00, s6;
	[dreg:$0x4] =	wrdreg s7  }
0xd: {  	s0 =	sadd.s32 $0x54200, s0;
	s6 =	sadd.s32 $0xBC200, s6;
	[dreg:$0x2] =	wrdreg s29  }
0xe: {  	s5 =	sadd.s32 s0, s5;
	s0 =	sadd.s32 s30, s0;
	[dreg:$0x3] =	wrdreg s6  }
0xf: {  	s31 =	sadd.s32 $0x2C00, s5;
	s9 =	sadd.s32 $0x2E00, s5;
	s10 =	sadd.s32 $0x3000, s5  }
0x10: {  	s11 =	sadd.s32 $0x3200, s5;
	s16 =	sadd.s32 s1, s0;
	[dreg:$0x5] =	wrdreg s31  }
.LBB2_1:
0x11: {  	s0 =	rddreg [dreg:$0x2]  }
0x12: {  	[tilespmem:s2], [sflag:$0x3] =	stream.linear.gather [hbm4b:s0+s2], $0xD00, $0x38;
	[tilespmem:$0x5A00] =	vst v63  }
0x13: {  	_ =	swait.ge [sflag:s13], $0xD00  }
0x14: {  	[sflag:s13] =	ssyncset.done $0x0  }
0x15: {  	[sflag:s13] =	ssyncadd.s32 $0xFFFFF300  }
0x16: {  	[tilespmem:s15], [sflag:$0x2] =	stream.indirect.gather [hbm4b:s4+s14], $0x1, s2, s14, $0xb8;
	[tilespmem:$0x5A00] =	vst v63  }
0x17: {  	s26 =	simm.s32 $0x4D80  }
0x18: {  	[tilespmem:s26], [sflag:$0x2] =	stream.indirect.gather [hbm4b:s4+s14], $0x1, s14, s14, $0xb8;
	[tilespmem:$0x5A00] =	vst v63  }
0x19: {  	s1 =	simm.s32 $0x4E00  }
0x1a: {  	[tilespmem:s1], [sflag:$0x2] =	stream.indirect.gather [hbm4b:s4+s14], $0x1, s17, s14, $0xb8;
	[tilespmem:$0x5A00] =	vst v63  }
0x1b: {  	s5 =	simm.s32 $0x4E80  }
0x1c: {  	[tilespmem:s5], [sflag:$0x2] =	stream.indirect.gather [hbm4b:s4+s14], $0x1, s19, s14, $0xb8;
	[tilespmem:$0x5A00] =	vst v63  }
0x1d: {  	s6 =	simm.s32 $0x4F00;
	s26 =	simm.s32 $0x200  }
0x1e: {  	[tilespmem:s6], [sflag:$0x2] =	stream.indirect.gather [hbm4b:s4+s14], $0x1, s26, s14, $0xb8;
	[tilespmem:$0x5A00] =	vst v63  }
0x1f: {  	s7 =	simm.s32 $0x280;
	s1 =	simm.s32 $0x4F80  }
0x20: {  	[tilespmem:s1], [sflag:$0x2] =	stream.indirect.gather [hbm4b:s4+s14], $0x1, s7, s14, $0xb8;
	[tilespmem:$0x5A00] =	vst v63  }
0x21: {  	s8 =	simm.s32 $0x300;
	s12 =	simm.s32 $0x5000  }
0x22: {  	[tilespmem:s12], [sflag:$0x2] =	stream.indirect.gather [hbm4b:s4+s14], $0x1, s8, s14, $0xb8;
	[tilespmem:$0x5A00] =	vst v63  }
0x23: {  	s5 =	simm.s32 $0x5080;
	s1 =	simm.s32 $0x380  }
0x24: {  	[tilespmem:s5], [sflag:$0x2] =	stream.indirect.gather [hbm4b:s4+s14], $0x1, s1, s14, $0xb8;
	[tilespmem:$0x5A00] =	vst v63  }
0x25: {  	s6 =	simm.s32 $0x400;
	s7 =	simm.s32 $0x5100  }
0x26: {  	[tilespmem:s7], [sflag:$0x2] =	stream.indirect.gather [hbm4b:s4+s14], $0x1, s6, s14, $0xb8;
	[tilespmem:$0x5A00] =	vst v63  }
0x27: {  	s8 =	simm.s32 $0x480;
	s12 =	simm.s32 $0x5180  }
0x28: {  	[tilespmem:s12], [sflag:$0x2] =	stream.indirect.gather [hbm4b:s4+s14], $0x1, s8, s14, $0xb8;
	[tilespmem:$0x5A00] =	vst v63  }
0x29: {  	s1 =	simm.s32 $0x500;
	s5 =	simm.s32 $0x5200  }
0x2a: {  	[tilespmem:s5], [sflag:$0x2] =	stream.indirect.gather [hbm4b:s4+s14], $0x1, s1, s14, $0xb8;
	[tilespmem:$0x5A00] =	vst v63  }
0x2b: {  	s6 =	simm.s32 $0x580;
	s7 =	simm.s32 $0x5280  }
0x2c: {  	[tilespmem:s7], [sflag:$0x2] =	stream.indirect.gather [hbm4b:s4+s14], $0x1, s6, s14, $0xb8;
	[tilespmem:$0x5A00] =	vst v63  }
0x2d: {  	s8 =	simm.s32 $0x600;
	s12 =	simm.s32 $0x5300  }
0x2e: {  	[tilespmem:s12], [sflag:$0x2] =	stream.indirect.gather [hbm4b:s4+s14], $0x1, s8, s14, $0xb8;
	[tilespmem:$0x5A00] =	vst v63  }
0x2f: {  	s1 =	simm.s32 $0x680;
	s5 =	simm.s32 $0x5380  }
0x30: {  	[tilespmem:s5], [sflag:$0x2] =	stream.indirect.gather [hbm4b:s4+s14], $0x1, s1, s14, $0xb8;
	[tilespmem:$0x5A00] =	vst v63  }
0x31: {  	s6 =	simm.s32 $0x700;
	s7 =	simm.s32 $0x5400  }
0x32: {  	[tilespmem:s7], [sflag:$0x2] =	stream.indirect.gather [hbm4b:s4+s14], $0x1, s6, s14, $0xb8;
	[tilespmem:$0x5A00] =	vst v63  }
0x33: {  	s8 =	simm.s32 $0x780;
	s12 =	simm.s32 $0x5480  }
0x34: {  	[tilespmem:s12], [sflag:$0x2] =	stream.indirect.gather [hbm4b:s4+s14], $0x1, s8, s14, $0xb8;
	[tilespmem:$0x5A00] =	vst v63  }
0x35: {  	s1 =	simm.s32 $0x800;
	s5 =	simm.s32 $0x5500  }
0x36: {  	[tilespmem:s5], [sflag:$0x2] =	stream.indirect.gather [hbm4b:s4+s14], $0x1, s1, s14, $0xb8;
	[tilespmem:$0x5A00] =	vst v63  }
0x37: {  	s6 =	simm.s32 $0x880;
	s7 =	simm.s32 $0x5580  }
0x38: {  	[tilespmem:s7], [sflag:$0x2] =	stream.indirect.gather [hbm4b:s4+s14], $0x1, s6, s14, $0xb8;
	[tilespmem:$0x5A00] =	vst v63  }
0x39: {  	s8 =	simm.s32 $0x900;
	s12 =	simm.s32 $0x5600  }
0x3a: {  	[tilespmem:s12], [sflag:$0x2] =	stream.indirect.gather [hbm4b:s4+s14], $0x1, s8, s14, $0xb8;
	[tilespmem:$0x5A00] =	vst v63  }
0x3b: {  	s1 =	simm.s32 $0x980;
	s5 =	simm.s32 $0x5680  }
0x3c: {  	[tilespmem:s5], [sflag:$0x2] =	stream.indirect.gather [hbm4b:s4+s14], $0x1, s1, s14, $0xb8;
	[tilespmem:$0x5A00] =	vst v63  }
0x3d: {  	s6 =	simm.s32 $0xA00;
	s7 =	simm.s32 $0x5700  }
0x3e: {  	[tilespmem:s7], [sflag:$0x2] =	stream.indirect.gather [hbm4b:s4+s14], $0x1, s6, s14, $0xb8;
	[tilespmem:$0x5A00] =	vst v63  }
0x3f: {  	s8 =	simm.s32 $0xA80;
	s12 =	simm.s32 $0x5780  }
0x40: {  	[tilespmem:s12], [sflag:$0x2] =	stream.indirect.gather [hbm4b:s4+s14], $0x1, s8, s14, $0xb8;
	[tilespmem:$0x5A00] =	vst v63  }
0x41: {  	s1 =	simm.s32 $0xB00;
	s5 =	simm.s32 $0x5800  }
0x42: {  	[tilespmem:s5], [sflag:$0x2] =	stream.indirect.gather [hbm4b:s4+s14], $0x1, s1, s14, $0xb8;
	[tilespmem:$0x5A00] =	vst v63  }
0x43: {  	s6 =	simm.s32 $0xB80;
	s7 =	simm.s32 $0x5880  }
0x44: {  	[tilespmem:s7], [sflag:$0x2] =	stream.indirect.gather [hbm4b:s4+s14], $0x1, s6, s14, $0xb8;
	[tilespmem:$0x5A00] =	vst v63  }
0x45: {  	s7 =	simm.s32 $0x0  }
0x46: {  	s8 =	simm.s32 $0xC00;
	s12 =	simm.s32 $0x5900;
	s0 =	sand.u32 $0x3, s7  }
0x47: {  	[tilespmem:s12], [sflag:$0x2] =	stream.indirect.gather [hbm4b:s4+s14], $0x1, s8, s14, $0xb8;
	[tilespmem:$0x5A00] =	vst v63  }
0x48: {  	s5 =	simm.s32 $0xC80;
	s6 =	simm.s32 $0x5980;
	s0 =	sadd.s32 $0x0, s0  }
0x49: {  	[tilespmem:s6], [sflag:$0x2] =	stream.indirect.gather [hbm4b:s4+s14], $0x1, s5, s14, $0xb8;
	[tilespmem:$0x5A00] =	vst v63  }
0x4a: {  	s0 =	sand.u32 $0xFC, s0  }
0x4b: {  	[tilespmem:s18], [sflag:$0x1] =	stream.indirect.gather [hbm4b:s3+s14], $0x20, s2, s14, $0xb8;
	[tilespmem:$0x5A00] =	vst v63  }
0x4c: {  	s29 =	simm.s32 $0x14000;
	s31 =	simm.s32 $0x1;
	s0 =	ssub.s32 $0x0, s0  }
0x4d: {  	[tilespmem:s20], [sflag:$0x1] =	stream.indirect.gather [hbm4b:s3+s14], $0x20, s14, s14, $0xb8;
	[tilespmem:$0x5A00] =	vst v63  }
0x4e: {  	s30 =	sadd.s32 $0x200, s16;
	s28 =	simm.s32 $0x280;
	s0 =	sshll.u32 s0, $0x18  }
0x4f: {  	[tilespmem:s21], [sflag:$0x1] =	stream.indirect.gather [hbm4b:s3+s14], $0x20, s17, s14, $0xb8;
	[tilespmem:$0x5A00] =	vst v63  }
0x50: {  	s1 =	simm.s32 $0x18000;
	s12 =	simm.s32 $0x0;
	s8 =	sshra.s32 s0, $0x18  }
0x51: {  	[tilespmem:s22], [sflag:$0x1] =	stream.indirect.gather [hbm4b:s3+s14], $0x20, s19, s14, $0xb8;
	[tilespmem:$0x5A00] =	vst v63  }
0x52: {  	s0 =	simm.s32 $0x10000;
	s5 =	sshll.u32 s8, $0xE;
	_ =	swait.ge [sflag:s23], $0x1000  }
0x53: {  	s6 =	sshra.s32 s5, $0x2;
	s5 =	sand.u32 $0x3, s12;
	[sflag:s23] =	ssyncset.done $0x0  }
0x54: {  	s12 =	smov.u32 s16;
	s6 =	sor.u32 $0xD00, s6;
	[sflag:s23] =	ssyncadd.s32 $0xFFFFF000  }
.LBB2_2:
0x55: {  	[hbm4b:s12+s2] =	stream.linear.scatter [tilespmem:s6], [sflag:$0x3], $0x1000, $0x38;
	[tilespmem:$0x5A00] =	vst v63  }
0x56: {  	s6 =	smov.u32 s1;
	s12 =	smov.u32 s30;
	s7 =	smov.u32 s26  }
0x57: {  	p0 =	sne.s32 s1, $0x64000;
	s5 =	sadd.s32 s5, s31;
	_ =	swait.ge [sflag:s13], $0x1000  }
0x58: {  	s1 =	sadd.s32 $0x4000, s1;
	s5 =	sand.u32 $0xFC, s5;
	[sflag:s13] =	ssyncset.done $0x0  }
0x59: {  	s26 =	smov.u32 s28;
	s5 =	ssub.s32 s31, s5;
	[sflag:s13] =	ssyncadd.s32 $0xFFFFF000  }
0x5a: {  	s8 =	sand.u32 $0xC000, s0;
	s0 =	smov.u32 s29;
	s5 =	sshll.u32 s5, $0x18  }
0x5b: {  	s8 =	sshrl.u32 s8, $0x2;
	s29 =	smov.u32 s6;
	s5 =	sshra.s32 s5, $0x18  }
0x5c: {  	s6 =	sor.u32 $0xD00, s8;
	s5 =	sshll.u32 s5, $0xE  }
.Ltmp0:
0x5d: {  	s31 =	sadd.s32 $0x1, s31;
	s8 =	sshra.s32 s5, $0x2;
	(pc) =	sbr.rel @p0 .LBB2_2-.Ltmp0, $4  }
0x5e: {  	[tilespmem:s6], [sflag:$0x1] =	stream.indirect.gather [hbm4b:s3+s14], $0x20, s7, s14, $0xb8;
	[tilespmem:$0x5A00] =	vst v63  }
0x5f: {  	s30 =	sadd.s32 $0x200, s30;
	s5 =	sshll.u32 s31, $0x18;
	_ =	swait.ge [sflag:s23], $0x1000  }
0x60: {  	s28 =	sadd.s32 $0x80, s28;
	s5 =	sshra.s32 s5, $0x1F;
	[sflag:s23] =	ssyncset.done $0x0  }
0x61: {  	s5 =	sand.u32 $0x3, s5;
	s6 =	sor.u32 $0xD00, s8;
	[sflag:s23] =	ssyncadd.s32 $0xFFFFF000  }
0x62: {  	[hbm4b:s12+s2] =	stream.linear.scatter [tilespmem:s6], [sflag:$0x3], $0x1000, $0x38;
	[tilespmem:$0x5A00] =	vst v63  }
0x63: {  	s0 =	sand.u32 $0xC000, s0;
	_ =	swait.ge [sflag:s13], $0x1000  }
0x64: {  	s0 =	sshrl.u32 s0, $0x2;
	[sflag:s13] =	ssyncset.done $0x0  }
0x65: {  	s12 =	sadd.s32 s5, s31;
	s0 =	sor.u32 $0xD00, s0;
	[sflag:s13] =	ssyncadd.s32 $0xFFFFF000  }
0x66: {  	[tilespmem:s0], [sflag:$0x1] =	stream.indirect.gather [hbm4b:s3+s14], $0x20, s26, s14, $0xb8;
	[tilespmem:$0x5A00] =	vst v63  }
0x67: {  	s0 =	sand.u32 $0xFC, s12  }
0x68: {  	s0 =	ssub.s32 s31, s0  }
0x69: {  	s0 =	sshll.u32 s0, $0x18  }
0x6a: {  	s0 =	sshra.s32 s0, $0x18  }
0x6b: {  	_ =	swait.ge [sflag:s23], $0x1000;
	s0 =	sshll.u32 s0, $0xE  }
0x6c: {  	[sflag:s23] =	ssyncset.done $0x0;
	s0 =	sshra.s32 s0, $0x2  }
0x6d: {  	[sflag:s23] =	ssyncadd.s32 $0xFFFFF000;
	s0 =	sor.u32 $0xD00, s0  }
0x6e: {  	[hbm4b:s30+s2] =	stream.linear.scatter [tilespmem:s0], [sflag:$0x3], $0x1000, $0x38;
	[tilespmem:$0x5A00] =	vst v63  }
0x6f: {  	s26 =	sand.u32 $0xC000, s29;
	_ =	swait.ge [sflag:s13], $0x1000  }
0x70: {  	s0 =	sshrl.u32 s26, $0x2;
	[sflag:s13] =	ssyncset.done $0x0  }
0x71: {  	s0 =	sor.u32 $0xD00, s0;
	[sflag:s13] =	ssyncadd.s32 $0xFFFFF000  }
0x72: {  	[tilespmem:s0], [sflag:$0x1] =	stream.indirect.gather [hbm4b:s3+s14], $0x20, s28, s14, $0xb8;
	[tilespmem:$0x5A00] =	vst v63  }
0x73: {  	_ =	swait.ge [sflag:s23], $0x1000  }
0x74: {  	[sflag:s23] =	ssyncset.done $0x0  }
0x75: {  	s29 =	rddreg [dreg:$0x5];
	[sflag:s23] =	ssyncadd.s32 $0xFFFFF000  }
0x76: {  	[hbm4b:s29+s2] =	stream.linear.scatter [tilespmem:s21], [sflag:$0x3], $0x1000, $0x38;
	[tilespmem:$0x5A00] =	vst v63  }
0x77: {  	_ =	swait.ge [sflag:s13], $0x1000  }
0x78: {  	[sflag:s13] =	ssyncset.done $0x0  }
0x79: {  	[sflag:s13] =	ssyncadd.s32 $0xFFFFF000  }
0x7a: {  	_ =	swait.ge [sflag:s23], $0x1000  }
0x7b: {  	[sflag:s23] =	ssyncset.done $0x0  }
0x7c: {  	[sflag:s23] =	ssyncadd.s32 $0xFFFFF000  }
0x7d: {  	[hbm4b:s9+s2] =	stream.linear.scatter [tilespmem:s22], [sflag:$0x3], $0x1000, $0x38;
	[tilespmem:$0x5A00] =	vst v63  }
0x7e: {  	_ =	swait.ge [sflag:s13], $0x1000  }
0x7f: {  	[sflag:s13] =	ssyncset.done $0x0  }
0x80: {  	[sflag:s13] =	ssyncadd.s32 $0xFFFFF000  }
0x81: {  	_ =	swait.ge [sflag:s23], $0x1000  }
0x82: {  	[sflag:s23] =	ssyncset.done $0x0  }
0x83: {  	[sflag:s23] =	ssyncadd.s32 $0xFFFFF000  }
0x84: {  	[hbm4b:s10+s2] =	stream.linear.scatter [tilespmem:s18], [sflag:$0x3], $0x1000, $0x38;
	[tilespmem:$0x5A00] =	vst v63  }
0x85: {  	_ =	swait.ge [sflag:s13], $0x1000  }
0x86: {  	[sflag:s13] =	ssyncset.done $0x0  }
0x87: {  	[sflag:s13] =	ssyncadd.s32 $0xFFFFF000  }
0x88: {  	_ =	swait.ge [sflag:s23], $0x1000  }
0x89: {  	[sflag:s23] =	ssyncset.done $0x0  }
0x8a: {  	[sflag:s23] =	ssyncadd.s32 $0xFFFFF000  }
0x8b: {  	[hbm4b:s11+s2] =	stream.linear.scatter [tilespmem:s20], [sflag:$0x3], $0x1000, $0x38;
	[tilespmem:$0x5A00] =	vst v63  }
0x8c: {  	_ =	swait.ge [sflag:s13], $0x1000  }
0x8d: {  	[sflag:s13] =	ssyncset.done $0x0  }
0x8e: {  	[sflag:s13] =	ssyncadd.s32 $0xFFFFF000  }
0x8f: {  	_ =	swait.ge [sflag:s24], $0x80  }
0x90: {  	[sflag:s24] =	ssyncset.done $0x0  }
0x91: {  	[sflag:s24] =	ssyncadd.s32 $0xFFFFFF80  }
0x92: {  	_ =	swait.ge [sflag:s24], $0x80  }
0x93: {  	[sflag:s24] =	ssyncset.done $0x0  }
0x94: {  	[sflag:s24] =	ssyncadd.s32 $0xFFFFFF80  }
0x95: {  	_ =	swait.ge [sflag:s24], $0x80  }
0x96: {  	[sflag:s24] =	ssyncset.done $0x0  }
0x97: {  	[sflag:s24] =	ssyncadd.s32 $0xFFFFFF80  }
0x98: {  	_ =	swait.ge [sflag:s24], $0x80  }
0x99: {  	[sflag:s24] =	ssyncset.done $0x0  }
0x9a: {  	[sflag:s24] =	ssyncadd.s32 $0xFFFFFF80  }
0x9b: {  	_ =	swait.ge [sflag:s24], $0x80  }
0x9c: {  	[sflag:s24] =	ssyncset.done $0x0  }
0x9d: {  	[sflag:s24] =	ssyncadd.s32 $0xFFFFFF80  }
0x9e: {  	_ =	swait.ge [sflag:s24], $0x80  }
0x9f: {  	[sflag:s24] =	ssyncset.done $0x0  }
0xa0: {  	[sflag:s24] =	ssyncadd.s32 $0xFFFFFF80  }
0xa1: {  	_ =	swait.ge [sflag:s24], $0x80  }
0xa2: {  	[sflag:s24] =	ssyncset.done $0x0  }
0xa3: {  	[sflag:s24] =	ssyncadd.s32 $0xFFFFFF80  }
0xa4: {  	_ =	swait.ge [sflag:s24], $0x80  }
0xa5: {  	[sflag:s24] =	ssyncset.done $0x0  }
0xa6: {  	[sflag:s24] =	ssyncadd.s32 $0xFFFFFF80  }
0xa7: {  	_ =	swait.ge [sflag:s24], $0x80  }
0xa8: {  	[sflag:s24] =	ssyncset.done $0x0  }
0xa9: {  	[sflag:s24] =	ssyncadd.s32 $0xFFFFFF80  }
0xaa: {  	_ =	swait.ge [sflag:s24], $0x80  }
0xab: {  	[sflag:s24] =	ssyncset.done $0x0  }
0xac: {  	[sflag:s24] =	ssyncadd.s32 $0xFFFFFF80  }
0xad: {  	_ =	swait.ge [sflag:s24], $0x80  }
0xae: {  	[sflag:s24] =	ssyncset.done $0x0  }
0xaf: {  	[sflag:s24] =	ssyncadd.s32 $0xFFFFFF80  }
0xb0: {  	_ =	swait.ge [sflag:s24], $0x80  }
0xb1: {  	[sflag:s24] =	ssyncset.done $0x0  }
0xb2: {  	[sflag:s24] =	ssyncadd.s32 $0xFFFFFF80  }
0xb3: {  	_ =	swait.ge [sflag:s24], $0x80  }
0xb4: {  	[sflag:s24] =	ssyncset.done $0x0  }
0xb5: {  	[sflag:s24] =	ssyncadd.s32 $0xFFFFFF80  }
0xb6: {  	_ =	swait.ge [sflag:s24], $0x80  }
0xb7: {  	[sflag:s24] =	ssyncset.done $0x0  }
0xb8: {  	[sflag:s24] =	ssyncadd.s32 $0xFFFFFF80  }
0xb9: {  	_ =	swait.ge [sflag:s24], $0x80  }
0xba: {  	[sflag:s24] =	ssyncset.done $0x0  }
0xbb: {  	[sflag:s24] =	ssyncadd.s32 $0xFFFFFF80  }
0xbc: {  	_ =	swait.ge [sflag:s24], $0x80  }
0xbd: {  	[sflag:s24] =	ssyncset.done $0x0  }
0xbe: {  	[sflag:s24] =	ssyncadd.s32 $0xFFFFFF80  }
0xbf: {  	_ =	swait.ge [sflag:s24], $0x80  }
0xc0: {  	[sflag:s24] =	ssyncset.done $0x0  }
0xc1: {  	[sflag:s24] =	ssyncadd.s32 $0xFFFFFF80  }
0xc2: {  	_ =	swait.ge [sflag:s24], $0x80  }
0xc3: {  	[sflag:s24] =	ssyncset.done $0x0  }
0xc4: {  	[sflag:s24] =	ssyncadd.s32 $0xFFFFFF80  }
0xc5: {  	_ =	swait.ge [sflag:s24], $0x80  }
0xc6: {  	[sflag:s24] =	ssyncset.done $0x0  }
0xc7: {  	[sflag:s24] =	ssyncadd.s32 $0xFFFFFF80  }
0xc8: {  	_ =	swait.ge [sflag:s24], $0x80  }
0xc9: {  	[sflag:s24] =	ssyncset.done $0x0  }
0xca: {  	[sflag:s24] =	ssyncadd.s32 $0xFFFFFF80  }
0xcb: {  	_ =	swait.ge [sflag:s24], $0x80  }
0xcc: {  	[sflag:s24] =	ssyncset.done $0x0  }
0xcd: {  	[sflag:s24] =	ssyncadd.s32 $0xFFFFFF80  }
0xce: {  	_ =	swait.ge [sflag:s24], $0x80  }
0xcf: {  	[sflag:s24] =	ssyncset.done $0x0  }
0xd0: {  	[sflag:s24] =	ssyncadd.s32 $0xFFFFFF80  }
0xd1: {  	_ =	swait.ge [sflag:s24], $0x80  }
0xd2: {  	[sflag:s24] =	ssyncset.done $0x0  }
0xd3: {  	[sflag:s24] =	ssyncadd.s32 $0xFFFFFF80  }
0xd4: {  	_ =	swait.ge [sflag:s24], $0x80  }
0xd5: {  	[sflag:s24] =	ssyncset.done $0x0  }
0xd6: {  	[sflag:s24] =	ssyncadd.s32 $0xFFFFFF80  }
0xd7: {  	_ =	swait.ge [sflag:s24], $0x80  }
0xd8: {  	[sflag:s24] =	ssyncset.done $0x0  }
0xd9: {  	[sflag:s24] =	ssyncadd.s32 $0xFFFFFF80  }
0xda: {  	_ =	swait.ge [sflag:s24], $0x80  }
0xdb: {  	[sflag:s24] =	ssyncset.done $0x0  }
0xdc: {  	s30 =	rddreg [dreg:$0x3];
	[sflag:s24] =	ssyncadd.s32 $0xFFFFFF80  }
0xdd: {  	[hbm4b:s30+s2] =	stream.linear.scatter [tilespmem:s15], [sflag:$0x3], $0xD00, $0x38;
	[tilespmem:$0x5A00] =	vst v63  }
0xde: {  	_ =	swait.ge [sflag:s13], $0xD00  }
0xdf: {  	s25 =	sadd.s32 $0x1, s25;
	s31 =	rddreg [dreg:$0x4]  }
0xe0: {  	p0 =	sne.s32 s25, s31  }
.Ltmp1:
0xe1: {  	_ = 	snop;
	(pc) =	sbr.rel @p0 .LBB2_1-.Ltmp1, $3  }
0xe2: {  	_ =	sdelay $0x1  }
0xe3: {  	[sflag:s13] =	ssyncset.done $0x0  }
0xe4: {  	[sflag:s13] =	ssyncadd.s32 $0xFFFFF300  }
0xe5: {  	_ =	sfence.sel $0x180000  }
0xe6: {  	[bflag:$0x0] =	sbarrier.arrive $0xFFFF  }
0xe7: {  	_ =	strace $0x90000047  }
0xe8: {  	s0 =	stileid.u32;
	[bflag:$0x2] =	sbarrier.arrive $0xFFFF  }
0xe9: {  	p0 =	sne.s32 s0, $0x0;
	s0 =	rddreg [dreg:$0x1]  }
0xea: {  	s0 =	sadd.s32 @!p0 $0x100000, s0  }
0xeb: {  	[sflag:s0] =	ssyncadd.tile.s32 @!p0 $0x1;
	_ =	shalt  }
.Lfunc_end2:
_tile_overlayer_lowered:
.L_overlay_start_2:
0xec: {  	(tag) =	ssettag $0x2  }
0xed: {  	s0 =	rddreg [dreg:$0x0];
	s2 =	stileid.u32  }
0xee: {  	s1 =	rddreg [dreg:$0x1];
	p0 =	sne.s32 s2, $0x0  }
0xef: {  	s3 =	rddreg [dreg:$0x2];
	[bflag:$0x3] =	sbarrier.arrive $0xFFFF;
	s2 =	simm.s32 @!p0 $0x1C03  }
0xf0: {  	[timem:s3], [sflag:s2] =	dma.local @!p0 [hbm:s0], s1  }
0xf1: {  	s0 =	simm.s32 @!p0 $0x3  }
0xf2: {  	_ =	swait.ge @!p0 [sflag:s0], s1  }
0xf3: {  	s1 =	ssub.s32 @!p0 $0x0, s1;
	[sflag:s0] =	ssyncset.done @!p0 $0x0  }
0xf4: {  	[sflag:s0] =	ssyncadd.s32 @!p0 s1  }
0xf5: {  	[bflag:$0x3] =	sbarrier.arrive $0xFFFF  }
0xf6: {  	_ =	shalt  }

</sc_bundles>
